<compile_context>
chip_gen: v7x
topology: tpu7x:2x2x1
jax: 0.10.2.dev20260603
libtpu: 0.0.44.dev20260713+nightly
codegen_flags: <defaults>
</compile_context>

<pallas_src>
import functools

import jax
import jax.numpy as jnp
from jax import lax
from jax.experimental import pallas as pl
from jax.experimental.pallas import tpu as pltpu
from jax.experimental.pallas import tpu_sc as plsc

S = 200
D = 64
B = 1024
NC = 2
NS = 16
NW = NC * NS
SEQ_PER_W = B // NW
SPLIT0 = 128
SPLIT1 = S - SPLIT0


def _body(x_hbm, po_hbm, tab_hbm, pos_hbm, out_hbm,
          idx_v, po_v, stag_v, pos_v, gsem, osem):
    wid = lax.axis_index("s") * NC + lax.axis_index("c")
    base = wid * SEQ_PER_W
    pltpu.sync_copy(pos_hbm, pos_v)
    pltpu.sync_copy(x_hbm.at[pl.ds(base * S, SEQ_PER_W * S)], idx_v)
    pltpu.sync_copy(po_hbm.at[pl.ds(base * S, SEQ_PER_W * S)],
                    po_v.at[pl.ds(0, SEQ_PER_W * S)])

    def fire(i, b):
        off = i * S
        pltpu.async_copy(
            tab_hbm.at[idx_v.at[pl.ds(off, SPLIT0)]],
            stag_v.at[b].at[pl.ds(0, SPLIT0)], gsem)
        pltpu.async_copy(
            tab_hbm.at[idx_v.at[pl.ds(off + SPLIT0, SPLIT1)]],
            stag_v.at[b].at[pl.ds(SPLIT0, SPLIT1)], gsem)

    def drain_gathers(i, b):
        off = i * S
        pltpu.make_async_copy(
            tab_hbm.at[idx_v.at[pl.ds(off, SPLIT0)]],
            stag_v.at[b].at[pl.ds(0, SPLIT0)], gsem).wait()
        pltpu.make_async_copy(
            tab_hbm.at[idx_v.at[pl.ds(off + SPLIT0, SPLIT1)]],
            stag_v.at[b].at[pl.ds(SPLIT0, SPLIT1)], gsem).wait()

    fire(0, 0)

    def seq_body(i, carry):
        b = lax.rem(i, 2)
        drain_gathers(i, b)

        @pl.when(i >= 1)
        def _():
            pltpu.make_async_copy(
                stag_v.at[1 - b],
                out_hbm.at[base + i - 1], osem).wait()

        @pl.when(i + 1 < SEQ_PER_W)
        def _():
            fire(i + 1, 1 - b)

        off = i * S

        def row_body(r8, c2):
            pv = po_v[pl.ds(off + r8 * 8, 16)]
            for dr in range(8):
                r = r8 * 8 + dr
                p = pv[dr]
                for c in range(D // 16):
                    sl = pl.ds(c * 16, 16)
                    stag_v[b, r, sl] = stag_v[b, r, pl.ds(p + c * 16, 16)] \
                        + pos_v[r, sl]
            return c2

        lax.fori_loop(0, S // 8, row_body, 0)
        pltpu.async_copy(
            stag_v.at[b], out_hbm.at[base + i], osem)
        return carry

    lax.fori_loop(0, SEQ_PER_W, seq_body, 0)
    pltpu.make_async_copy(
        stag_v.at[(SEQ_PER_W - 1) % 2],
        out_hbm.at[base + SEQ_PER_W - 1], osem).wait()


@functools.partial(
    pl.kernel,
    mesh=plsc.VectorSubcoreMesh(core_axis_name="c", subcore_axis_name="s"),
    compiler_params=pltpu.CompilerParams(use_tc_tiling_on_sc=True),
    out_type=jax.ShapeDtypeStruct((B, S, 2 * D), jnp.float32),
    scratch_types=[
        pltpu.VMEM((SEQ_PER_W * S,), jnp.int32),
        pltpu.VMEM((SEQ_PER_W * S + 16,), jnp.int32),
        pltpu.VMEM((2, S, 2 * D), jnp.float32),
        pltpu.VMEM((S, D), jnp.float32),
        pltpu.SemaphoreType.DMA,
        pltpu.SemaphoreType.DMA,
    ],
)
def _embed(x_hbm, po_hbm, tab_hbm, pos_hbm, out_hbm,
           idx_v, po_v, stag_v, pos_v, gsem, osem):
    _body(x_hbm, po_hbm, tab_hbm, pos_hbm, out_hbm,
          idx_v, po_v, stag_v, pos_v, gsem, osem)


@jax.jit
def kernel(x, token_table, pos_table):
    xf = x.reshape(B * S)
    tab2 = token_table.reshape(500000, 2 * D)
    return _embed(xf >> 1, (xf & 1) * D, tab2, pos_table)[:, :, :D]

# --- scband reference (transcript-rebuilt; emitter-appended) ---
"""Pipeline reference for scband-token-and-position-embedding-86277303042607 (READ-ONLY COPY).

The authoritative reference and input builder live on the scoring server;
editing this copy changes nothing except your own understanding.
"""

import jax, jax.numpy as jnp
import numpy as np

VOCAB = 1000000
MAXLEN = 200
EMBED_DIM = 64
BATCH = 1024

def setup_inputs(seed: int = 0) -> dict:
    key = jax.random.key(seed)
    k1, k2, k3 = jax.random.split(key, 3)
    x = jax.random.randint(k1, (BATCH, MAXLEN), 0, VOCAB, dtype=jnp.int64 if jax.config.jax_enable_x64 else jnp.int32)
    # Keras 'uniform' embeddings_initializer: U(-0.05, 0.05)
    token_table = jax.random.uniform(k2, (VOCAB, EMBED_DIM), minval=-0.05, maxval=0.05, dtype=jnp.float32)
    pos_table = jax.random.uniform(k3, (MAXLEN, EMBED_DIM), minval=-0.05, maxval=0.05, dtype=jnp.float32)
    return {"x": x, "token_table": token_table, "pos_table": pos_table}

def reference(x, token_table, pos_table):
    seqlen = x.shape[-1]
    positions = jnp.arange(seqlen)
    pos_emb = jnp.take(pos_table, positions, axis=0)          # [S, D]
    tok_emb = jnp.take(token_table, x, axis=0)                # [B, S, D]
    return tok_emb + pos_emb[None, :, :]

if __name__ == "__main__":
    import jax
    _d = setup_inputs()
    print(jax.jit(kernel)(*tuple(_d.values())))

</pallas_src>

<mosaic_0001>
#map = affine_map<(d0, d1) -> (0)>
#map1 = affine_map<(d0, d1) -> (0, 0)>
#map2 = affine_map<(d0, d1) -> (0, 0, 0)>
module attributes {stable_mosaic.version = 14 : i64} {
  func.func @_embed(%arg0: i32, %arg1: i32, %arg2: memref<204800xi32, #tpu.memory_space<hbm>>, %arg3: memref<204800xi32, #tpu.memory_space<hbm>>, %arg4: memref<500000x128xf32, #tpu.memory_space<hbm>>, %arg5: memref<200x64xf32, #tpu.memory_space<hbm>>, %arg6: memref<1024x200x128xf32, #tpu.memory_space<hbm>>, %arg7: memref<6400xi32, #tpu.memory_space<vmem>>, %arg8: memref<6416xi32, #tpu.memory_space<vmem>>, %arg9: memref<2x200x128xf32, #tpu.memory_space<vmem>>, %arg10: memref<200x64xf32, #tpu.memory_space<vmem>>, %arg11: memref<!tpu.dma_semaphore, #tpu.memory_space<semaphore_mem>>, %arg12: memref<!tpu.dma_semaphore, #tpu.memory_space<semaphore_mem>>) attributes {dimension_semantics = [#tpu.dimension_semantics<core_parallel>, #tpu.dimension_semantics<subcore_parallel>], iteration_bounds = array<i64: 2, 16>, scalar_prefetch = 0 : i64, scratch_operands = 6 : i64, tpu.core_type = #tpu.core_type<sc_vector_subcore>, window_params = [{transform_indices = #map}, {transform_indices = #map}, {transform_indices = #map1}, {transform_indices = #map1}, {transform_indices = #map2}]} {
    %mul3A = arith.constant 2 : i32
    %mul3A_0 = arith.muli %arg1, %mul3A : i32
    %add3A = arith.addi %mul3A_0, %arg0 : i32
    %mul3A_1 = arith.constant 32 : i32
    %mul3A_2 = arith.muli %add3A, %mul3A_1 : i32
    "tpu.region"() ({
      %run_scoped3A = tpu.sem_alloc : memref<!tpu.dma_semaphore, #tpu.memory_space<semaphore_mem>>
      tpu.enqueue_dma source(%arg5 : memref<200x64xf32, #tpu.memory_space<hbm>>) target(%arg10 : memref<200x64xf32, #tpu.memory_space<vmem>>) target_semaphore(%run_scoped3A : memref<!tpu.dma_semaphore, #tpu.memory_space<semaphore_mem>>)
      tpu.wait_dma2 semaphore(%run_scoped3A : memref<!tpu.dma_semaphore, #tpu.memory_space<semaphore_mem>>) src(%arg5 : memref<200x64xf32, #tpu.memory_space<hbm>>) dst(%arg10 : memref<200x64xf32, #tpu.memory_space<vmem>>)
      tpu.yield
    }) : () -> ()
    %mul3A_3 = arith.constant 200 : i32
    %mul3A_4 = arith.muli %mul3A_2, %mul3A_3 : i32
    "tpu.region"() ({
      %run_scoped3A = tpu.sem_alloc : memref<!tpu.dma_semaphore, #tpu.memory_space<semaphore_mem>>
      %dma_start3A_56 = tpu.memref_slice %arg2[%mul3A_4] : memref<204800xi32, #tpu.memory_space<hbm>> -> memref<6400xi32, #tpu.memory_space<hbm>>
      %dma_start3A_57 = tpu.memref_slice %arg2[%mul3A_4] : memref<204800xi32, #tpu.memory_space<hbm>> -> memref<6400xi32, #tpu.memory_space<hbm>>
      tpu.enqueue_dma source(%dma_start3A_57 : memref<6400xi32, #tpu.memory_space<hbm>>) target(%arg7 : memref<6400xi32, #tpu.memory_space<vmem>>) target_semaphore(%run_scoped3A : memref<!tpu.dma_semaphore, #tpu.memory_space<semaphore_mem>>)
      %dma_wait3A_58 = tpu.memref_slice %arg2[%mul3A_4] : memref<204800xi32, #tpu.memory_space<hbm>> -> memref<6400xi32, #tpu.memory_space<hbm>>
      %dma_wait3A_59 = tpu.memref_slice %arg2[%mul3A_4] : memref<204800xi32, #tpu.memory_space<hbm>> -> memref<6400xi32, #tpu.memory_space<hbm>>
      tpu.wait_dma2 semaphore(%run_scoped3A : memref<!tpu.dma_semaphore, #tpu.memory_space<semaphore_mem>>) src(%dma_wait3A_59 : memref<6400xi32, #tpu.memory_space<hbm>>) dst(%arg7 : memref<6400xi32, #tpu.memory_space<vmem>>)
      tpu.yield
    }) : () -> ()
    %mul3A_5 = arith.constant 200 : i32
    %mul3A_6 = arith.muli %mul3A_2, %mul3A_5 : i32
    "tpu.region"() ({
      %run_scoped3A = tpu.sem_alloc : memref<!tpu.dma_semaphore, #tpu.memory_space<semaphore_mem>>
      %dma_start3A_56 = arith.constant 0 : i32
      %dma_start3A_57 = tpu.memref_slice %arg8[%dma_start3A_56] : memref<6416xi32, #tpu.memory_space<vmem>> -> memref<6400xi32, #tpu.memory_space<vmem>>
      %dma_start3A_58 = tpu.memref_slice %arg3[%mul3A_6] : memref<204800xi32, #tpu.memory_space<hbm>> -> memref<6400xi32, #tpu.memory_space<hbm>>
      %dma_start3A_59 = arith.constant 0 : i32
      %dma_start3A_60 = tpu.memref_slice %arg8[%dma_start3A_59] : memref<6416xi32, #tpu.memory_space<vmem>> -> memref<6400xi32, #tpu.memory_space<vmem>>
      %dma_start3A_61 = tpu.memref_slice %arg3[%mul3A_6] : memref<204800xi32, #tpu.memory_space<hbm>> -> memref<6400xi32, #tpu.memory_space<hbm>>
      tpu.enqueue_dma source(%dma_start3A_61 : memref<6400xi32, #tpu.memory_space<hbm>>) target(%dma_start3A_60 : memref<6400xi32, #tpu.memory_space<vmem>>) target_semaphore(%run_scoped3A : memref<!tpu.dma_semaphore, #tpu.memory_space<semaphore_mem>>)
      %dma_wait3A_62 = arith.constant 0 : i32
      %dma_wait3A_63 = tpu.memref_slice %arg8[%dma_wait3A_62] : memref<6416xi32, #tpu.memory_space<vmem>> -> memref<6400xi32, #tpu.memory_space<vmem>>
      %dma_wait3A_64 = tpu.memref_slice %arg3[%mul3A_6] : memref<204800xi32, #tpu.memory_space<hbm>> -> memref<6400xi32, #tpu.memory_space<hbm>>
      %dma_wait3A_65 = arith.constant 0 : i32
      %dma_wait3A_66 = tpu.memref_slice %arg8[%dma_wait3A_65] : memref<6416xi32, #tpu.memory_space<vmem>> -> memref<6400xi32, #tpu.memory_space<vmem>>
      %dma_wait3A_67 = tpu.memref_slice %arg3[%mul3A_6] : memref<204800xi32, #tpu.memory_space<hbm>> -> memref<6400xi32, #tpu.memory_space<hbm>>
      tpu.wait_dma2 semaphore(%run_scoped3A : memref<!tpu.dma_semaphore, #tpu.memory_space<semaphore_mem>>) src(%dma_wait3A_67 : memref<6400xi32, #tpu.memory_space<hbm>>) dst(%dma_wait3A_66 : memref<6400xi32, #tpu.memory_space<vmem>>)
      tpu.yield
    }) : () -> ()
    %dma_start3A = arith.constant 0 : i32
    %dma_start3A_7 = arith.constant 0 : i32
    %dma_start3A_8 = arith.constant 0 : i32
    %dma_start3A_9 = tpu.memref_slice %arg9[%dma_start3A, %dma_start3A_7, %dma_start3A_8] : memref<2x200x128xf32, #tpu.memory_space<vmem>> -> memref<1x200x128xf32, #tpu.memory_space<vmem>>
    %dma_start3A_10 = tpu.memref_squeeze %dma_start3A_9 : memref<1x200x128xf32, #tpu.memory_space<vmem>> -> memref<200x128xf32, #tpu.memory_space<vmem>>
    %dma_start3A_11 = arith.constant 0 : i32
    %dma_start3A_12 = arith.constant 0 : i32
    %dma_start3A_13 = tpu.memref_slice %dma_start3A_10[%dma_start3A_11, %dma_start3A_12] : memref<200x128xf32, #tpu.memory_space<vmem>> -> memref<128x128xf32, #tpu.memory_space<vmem>>
    %dma_start3A_14 = arith.constant 0 : i32
    %dma_start3A_15 = tpu.memref_slice %arg7[%dma_start3A_14] : memref<6400xi32, #tpu.memory_space<vmem>> -> memref<128xi32, #tpu.memory_space<vmem>>
    %dma_start3A_16 = arith.constant 0 : i32
    %dma_start3A_17 = arith.constant 0 : i32
    %dma_start3A_18 = tpu.memref_slice %arg4[%dma_start3A_16, %dma_start3A_17] : memref<500000x128xf32, #tpu.memory_space<hbm>> -> memref<500000x128xf32, #tpu.memory_space<hbm>>
    tpu.enqueue_indirect_dma source(%dma_start3A_18 : memref<500000x128xf32, #tpu.memory_space<hbm>>) target(%dma_start3A_13 : memref<128x128xf32, #tpu.memory_space<vmem>>) offsets(%dma_start3A_15 : memref<128xi32, #tpu.memory_space<vmem>>) semaphore(%arg11 : memref<!tpu.dma_semaphore, #tpu.memory_space<semaphore_mem>>)
    %dma_start3A_19 = arith.constant 0 : i32
    %dma_start3A_20 = arith.constant 0 : i32
    %dma_start3A_21 = arith.constant 0 : i32
    %dma_start3A_22 = tpu.memref_slice %arg9[%dma_start3A_19, %dma_start3A_20, %dma_start3A_21] : memref<2x200x128xf32, #tpu.memory_space<vmem>> -> memref<1x200x128xf32, #tpu.memory_space<vmem>>
    %dma_start3A_23 = tpu.memref_squeeze %dma_start3A_22 : memref<1x200x128xf32, #tpu.memory_space<vmem>> -> memref<200x128xf32, #tpu.memory_space<vmem>>
    %dma_start3A_24 = arith.constant 128 : i32
    %dma_start3A_25 = arith.constant 0 : i32
    %dma_start3A_26 = tpu.memref_slice %dma_start3A_23[%dma_start3A_24, %dma_start3A_25] : memref<200x128xf32, #tpu.memory_space<vmem>> -> memref<72x128xf32, #tpu.memory_space<vmem>>
    %dma_start3A_27 = arith.constant 128 : i32
    %dma_start3A_28 = tpu.memref_slice %arg7[%dma_start3A_27] : memref<6400xi32, #tpu.memory_space<vmem>> -> memref<72xi32, #tpu.memory_space<vmem>>
    %dma_start3A_29 = arith.constant 0 : i32
    %dma_start3A_30 = arith.constant 0 : i32
    %dma_start3A_31 = tpu.memref_slice %arg4[%dma_start3A_29, %dma_start3A_30] : memref<500000x128xf32, #tpu.memory_space<hbm>> -> memref<500000x128xf32, #tpu.memory_space<hbm>>
    tpu.enqueue_indirect_dma source(%dma_start3A_31 : memref<500000x128xf32, #tpu.memory_space<hbm>>) target(%dma_start3A_26 : memref<72x128xf32, #tpu.memory_space<vmem>>) offsets(%dma_start3A_28 : memref<72xi32, #tpu.memory_space<vmem>>) semaphore(%arg11 : memref<!tpu.dma_semaphore, #tpu.memory_space<semaphore_mem>>)
    %scan3A = arith.constant 0 : i32
    %scan3A_32 = arith.constant 0 : i32
    %scan3A_33 = arith.constant 32 : i32
    %scan3A_34 = arith.addi %scan3A_32, %scan3A_33 : i32
    %scan3A_35 = arith.constant 1 : i32
    scf.for %scan3A_56 = %scan3A_32 to %scan3A_34 step %scan3A_35  : i32 {
      %rem3A = arith.constant 2 : i32
      %rem3A_57 = arith.remsi %scan3A_56, %rem3A : i32
      %mul3A_58 = arith.constant 200 : i32
      %mul3A_59 = arith.muli %scan3A_56, %mul3A_58 : i32
      %dma_wait3A_60 = arith.constant 0 : i32
      %dma_wait3A_61 = arith.constant 0 : i32
      %dma_wait3A_62 = tpu.memref_slice %arg9[%rem3A_57, %dma_wait3A_60, %dma_wait3A_61] : memref<2x200x128xf32, #tpu.memory_space<vmem>> -> memref<1x200x128xf32, #tpu.memory_space<vmem>>
      %dma_wait3A_63 = tpu.memref_squeeze %dma_wait3A_62 : memref<1x200x128xf32, #tpu.memory_space<vmem>> -> memref<200x128xf32, #tpu.memory_space<vmem>>
      %dma_wait3A_64 = arith.constant 0 : i32
      %dma_wait3A_65 = arith.constant 0 : i32
      %dma_wait3A_66 = tpu.memref_slice %dma_wait3A_63[%dma_wait3A_64, %dma_wait3A_65] : memref<200x128xf32, #tpu.memory_space<vmem>> -> memref<128x128xf32, #tpu.memory_space<vmem>>
      %dma_wait3A_67 = tpu.memref_slice %arg7[%mul3A_59] : memref<6400xi32, #tpu.memory_space<vmem>> -> memref<128xi32, #tpu.memory_space<vmem>>
      %dma_wait3A_68 = arith.constant 0 : i32
      %dma_wait3A_69 = arith.constant 0 : i32
      %dma_wait3A_70 = tpu.memref_slice %arg4[%dma_wait3A_68, %dma_wait3A_69] : memref<500000x128xf32, #tpu.memory_space<hbm>> -> memref<500000x128xf32, #tpu.memory_space<hbm>>
      tpu.wait_indirect_dma semaphore(%arg11 : memref<!tpu.dma_semaphore, #tpu.memory_space<semaphore_mem>>) src(%dma_wait3A_70 : memref<500000x128xf32, #tpu.memory_space<hbm>>) dst(%dma_wait3A_66 : memref<128x128xf32, #tpu.memory_space<vmem>>)
      %add3A_71 = arith.constant 128 : i32
      %add3A_72 = arith.addi %mul3A_59, %add3A_71 : i32
      %dma_wait3A_73 = arith.constant 0 : i32
      %dma_wait3A_74 = arith.constant 0 : i32
      %dma_wait3A_75 = tpu.memref_slice %arg9[%rem3A_57, %dma_wait3A_73, %dma_wait3A_74] : memref<2x200x128xf32, #tpu.memory_space<vmem>> -> memref<1x200x128xf32, #tpu.memory_space<vmem>>
      %dma_wait3A_76 = tpu.memref_squeeze %dma_wait3A_75 : memref<1x200x128xf32, #tpu.memory_space<vmem>> -> memref<200x128xf32, #tpu.memory_space<vmem>>
      %dma_wait3A_77 = arith.constant 128 : i32
      %dma_wait3A_78 = arith.constant 0 : i32
      %dma_wait3A_79 = tpu.memref_slice %dma_wait3A_76[%dma_wait3A_77, %dma_wait3A_78] : memref<200x128xf32, #tpu.memory_space<vmem>> -> memref<72x128xf32, #tpu.memory_space<vmem>>
      %dma_wait3A_80 = tpu.memref_slice %arg7[%add3A_72] : memref<6400xi32, #tpu.memory_space<vmem>> -> memref<72xi32, #tpu.memory_space<vmem>>
      %dma_wait3A_81 = arith.constant 0 : i32
      %dma_wait3A_82 = arith.constant 0 : i32
      %dma_wait3A_83 = tpu.memref_slice %arg4[%dma_wait3A_81, %dma_wait3A_82] : memref<500000x128xf32, #tpu.memory_space<hbm>> -> memref<500000x128xf32, #tpu.memory_space<hbm>>
      tpu.wait_indirect_dma semaphore(%arg11 : memref<!tpu.dma_semaphore, #tpu.memory_space<semaphore_mem>>) src(%dma_wait3A_83 : memref<500000x128xf32, #tpu.memory_space<hbm>>) dst(%dma_wait3A_79 : memref<72x128xf32, #tpu.memory_space<vmem>>)
      %ge3A = arith.constant 1 : i32
      %ge3A_84 = arith.cmpi sge, %scan3A_56, %ge3A : i32
      %convert_element_type3A = arith.extui %ge3A_84 : i1 to i32
      %cond3A = arith.constant 0 : i32
      %cond3A_85 = arith.cmpi ne, %convert_element_type3A, %cond3A : i32
      scf.if %cond3A_85 {
        %sub3A_117 = arith.constant 1 : i32
        %sub3A_118 = arith.subi %sub3A_117, %rem3A_57 : i32
        %add3A_119 = arith.addi %mul3A_2, %scan3A_56 : i32
        %sub3A_120 = arith.constant 1 : i32
        %sub3A_121 = arith.subi %add3A_119, %sub3A_120 : i32
        %dma_wait3A_122 = arith.constant 0 : i32
        %dma_wait3A_123 = arith.constant 0 : i32
        %dma_wait3A_124 = tpu.memref_slice %arg9[%sub3A_118, %dma_wait3A_122, %dma_wait3A_123] : memref<2x200x128xf32, #tpu.memory_space<vmem>> -> memref<1x200x128xf32, #tpu.memory_space<vmem>>
        %dma_wait3A_125 = tpu.memref_squeeze %dma_wait3A_124 : memref<1x200x128xf32, #tpu.memory_space<vmem>> -> memref<200x128xf32, #tpu.memory_space<vmem>>
        %dma_wait3A_126 = arith.constant 0 : i32
        %dma_wait3A_127 = arith.constant 0 : i32
        %dma_wait3A_128 = tpu.memref_slice %arg6[%sub3A_121, %dma_wait3A_126, %dma_wait3A_127] : memref<1024x200x128xf32, #tpu.memory_space<hbm>> -> memref<1x200x128xf32, #tpu.memory_space<hbm>>
        %dma_wait3A_129 = tpu.memref_squeeze %dma_wait3A_128 : memref<1x200x128xf32, #tpu.memory_space<hbm>> -> memref<200x128xf32, #tpu.memory_space<hbm>>
        %dma_wait3A_130 = arith.constant 0 : i32
        %dma_wait3A_131 = arith.constant 0 : i32
        %dma_wait3A_132 = tpu.memref_slice %arg6[%sub3A_121, %dma_wait3A_130, %dma_wait3A_131] : memref<1024x200x128xf32, #tpu.memory_space<hbm>> -> memref<1x200x128xf32, #tpu.memory_space<hbm>>
        %dma_wait3A_133 = tpu.memref_squeeze %dma_wait3A_132 : memref<1x200x128xf32, #tpu.memory_space<hbm>> -> memref<200x128xf32, #tpu.memory_space<hbm>>
        %dma_wait3A_134 = arith.constant 0 : i32
        %dma_wait3A_135 = arith.constant 0 : i32
        %dma_wait3A_136 = tpu.memref_slice %arg9[%sub3A_118, %dma_wait3A_134, %dma_wait3A_135] : memref<2x200x128xf32, #tpu.memory_space<vmem>> -> memref<1x200x128xf32, #tpu.memory_space<vmem>>
        %dma_wait3A_137 = tpu.memref_squeeze %dma_wait3A_136 : memref<1x200x128xf32, #tpu.memory_space<vmem>> -> memref<200x128xf32, #tpu.memory_space<vmem>>
        tpu.wait_dma2 semaphore(%arg12 : memref<!tpu.dma_semaphore, #tpu.memory_space<semaphore_mem>>) src(%dma_wait3A_137 : memref<200x128xf32, #tpu.memory_space<vmem>>) dst(%dma_wait3A_133 : memref<200x128xf32, #tpu.memory_space<hbm>>)
      } else {
      }
      %add3A_86 = arith.constant 1 : i32
      %add3A_87 = arith.addi %scan3A_56, %add3A_86 : i32
      %lt3A = arith.constant 32 : i32
      %lt3A_88 = arith.cmpi slt, %add3A_87, %lt3A : i32
      %convert_element_type3A_89 = arith.extui %lt3A_88 : i1 to i32
      %cond3A_90 = arith.constant 0 : i32
      %cond3A_91 = arith.cmpi ne, %convert_element_type3A_89, %cond3A_90 : i32
      scf.if %cond3A_91 {
        %add3A_117 = arith.constant 1 : i32
        %add3A_118 = arith.addi %scan3A_56, %add3A_117 : i32
        %sub3A_119 = arith.constant 1 : i32
        %sub3A_120 = arith.subi %sub3A_119, %rem3A_57 : i32
        %mul3A_121 = arith.constant 200 : i32
        %mul3A_122 = arith.muli %add3A_118, %mul3A_121 : i32
        %dma_start3A_123 = arith.constant 0 : i32
        %dma_start3A_124 = arith.constant 0 : i32
        %dma_start3A_125 = tpu.memref_slice %arg9[%sub3A_120, %dma_start3A_123, %dma_start3A_124] : memref<2x200x128xf32, #tpu.memory_space<vmem>> -> memref<1x200x128xf32, #tpu.memory_space<vmem>>
        %dma_start3A_126 = tpu.memref_squeeze %dma_start3A_125 : memref<1x200x128xf32, #tpu.memory_space<vmem>> -> memref<200x128xf32, #tpu.memory_space<vmem>>
        %dma_start3A_127 = arith.constant 0 : i32
        %dma_start3A_128 = arith.constant 0 : i32
        %dma_start3A_129 = tpu.memref_slice %dma_start3A_126[%dma_start3A_127, %dma_start3A_128] : memref<200x128xf32, #tpu.memory_space<vmem>> -> memref<128x128xf32, #tpu.memory_space<vmem>>
        %dma_start3A_130 = tpu.memref_slice %arg7[%mul3A_122] : memref<6400xi32, #tpu.memory_space<vmem>> -> memref<128xi32, #tpu.memory_space<vmem>>
        %dma_start3A_131 = arith.constant 0 : i32
        %dma_start3A_132 = arith.constant 0 : i32
        %dma_start3A_133 = tpu.memref_slice %arg4[%dma_start3A_131, %dma_start3A_132] : memref<500000x128xf32, #tpu.memory_space<hbm>> -> memref<500000x128xf32, #tpu.memory_space<hbm>>
        tpu.enqueue_indirect_dma source(%dma_start3A_133 : memref<500000x128xf32, #tpu.memory_space<hbm>>) target(%dma_start3A_129 : memref<128x128xf32, #tpu.memory_space<vmem>>) offsets(%dma_start3A_130 : memref<128xi32, #tpu.memory_space<vmem>>) semaphore(%arg11 : memref<!tpu.dma_semaphore, #tpu.memory_space<semaphore_mem>>)
        %add3A_134 = arith.constant 128 : i32
        %add3A_135 = arith.addi %mul3A_122, %add3A_134 : i32
        %dma_start3A_136 = arith.constant 0 : i32
        %dma_start3A_137 = arith.constant 0 : i32
        %dma_start3A_138 = tpu.memref_slice %arg9[%sub3A_120, %dma_start3A_136, %dma_start3A_137] : memref<2x200x128xf32, #tpu.memory_space<vmem>> -> memref<1x200x128xf32, #tpu.memory_space<vmem>>
        %dma_start3A_139 = tpu.memref_squeeze %dma_start3A_138 : memref<1x200x128xf32, #tpu.memory_space<vmem>> -> memref<200x128xf32, #tpu.memory_space<vmem>>
        %dma_start3A_140 = arith.constant 128 : i32
        %dma_start3A_141 = arith.constant 0 : i32
        %dma_start3A_142 = tpu.memref_slice %dma_start3A_139[%dma_start3A_140, %dma_start3A_141] : memref<200x128xf32, #tpu.memory_space<vmem>> -> memref<72x128xf32, #tpu.memory_space<vmem>>
        %dma_start3A_143 = tpu.memref_slice %arg7[%add3A_135] : memref<6400xi32, #tpu.memory_space<vmem>> -> memref<72xi32, #tpu.memory_space<vmem>>
        %dma_start3A_144 = arith.constant 0 : i32
        %dma_start3A_145 = arith.constant 0 : i32
        %dma_start3A_146 = tpu.memref_slice %arg4[%dma_start3A_144, %dma_start3A_145] : memref<500000x128xf32, #tpu.memory_space<hbm>> -> memref<500000x128xf32, #tpu.memory_space<hbm>>
        tpu.enqueue_indirect_dma source(%dma_start3A_146 : memref<500000x128xf32, #tpu.memory_space<hbm>>) target(%dma_start3A_142 : memref<72x128xf32, #tpu.memory_space<vmem>>) offsets(%dma_start3A_143 : memref<72xi32, #tpu.memory_space<vmem>>) semaphore(%arg11 : memref<!tpu.dma_semaphore, #tpu.memory_space<semaphore_mem>>)
      } else {
      }
      %mul3A_92 = arith.constant 200 : i32
      %mul3A_93 = arith.muli %scan3A_56, %mul3A_92 : i32
      %scan3A_94 = arith.constant 0 : i32
      %scan3A_95 = arith.constant 0 : i32
      %scan3A_96 = arith.constant 25 : i32
      %scan3A_97 = arith.addi %scan3A_95, %scan3A_96 : i32
      %scan3A_98 = arith.constant 1 : i32
      scf.for %scan3A_117 = %scan3A_95 to %scan3A_97 step %scan3A_98  : i32 {
        %mul3A_118 = arith.constant 8 : i32
        %mul3A_119 = arith.muli %scan3A_117, %mul3A_118 : i32
        %add3A_120 = arith.addi %mul3A_93, %mul3A_119 : i32
        %get3A = arith.index_cast %add3A_120 : i32 to index
        %get3A_121 = tpu.vector_load %arg8[%get3A] {strides = array<i32>} : memref<6416xi32, #tpu.memory_space<vmem>>, vector<16xi32>,
        %get3A_122 = vector.shape_cast %get3A_121 : vector<16xi32> to vector<16xi32>
        %mul3A_123 = arith.constant 8 : i32
        %mul3A_124 = arith.muli %scan3A_117, %mul3A_123 : i32
        %add3A_125 = arith.constant 0 : i32
        %add3A_126 = arith.addi %mul3A_124, %add3A_125 : i32
        %slice3A = vector.extract_strided_slice %get3A_122 {offsets = [0], sizes = [1], strides = [1]} : vector<16xi32> to vector<1xi32>
        %squeeze3A = vector.extract %slice3A[0] : i32 from vector<1xi32>
        %add3A_127 = arith.constant 0 : i32
        %add3A_128 = arith.addi %squeeze3A, %add3A_127 : i32
        %get3A_129 = arith.index_cast %rem3A_57 : i32 to index
        %get3A_130 = arith.index_cast %add3A_126 : i32 to index
        %get3A_131 = arith.index_cast %add3A_128 : i32 to index
        %get3A_132 = tpu.vector_load %arg9[%get3A_129, %get3A_130, %get3A_131] {strides = array<i32>} : memref<2x200x128xf32, #tpu.memory_space<vmem>>, vector<1x1x16xf32>,
        %get3A_133 = vector.shape_cast %get3A_132 : vector<1x1x16xf32> to vector<16xf32>
        %get3A_134 = arith.index_cast %add3A_126 : i32 to index
        %get3A_135 = arith.constant 0 : index
        %get3A_136 = tpu.vector_load %arg10[%get3A_134, %get3A_135] {strides = array<i32>} : memref<200x64xf32, #tpu.memory_space<vmem>>, vector<1x16xf32>,
        %get3A_137 = vector.shape_cast %get3A_136 : vector<1x16xf32> to vector<16xf32>
        %add3A_138 = arith.addf %get3A_133, %get3A_137 : vector<16xf32>
        %swap3A = arith.index_cast %rem3A_57 : i32 to index
        %swap3A_139 = arith.index_cast %add3A_126 : i32 to index
        %swap3A_140 = arith.constant 0 : index
        %swap3A_141 = tpu.vector_load %arg9[%swap3A, %swap3A_139, %swap3A_140] {strides = array<i32>} : memref<2x200x128xf32, #tpu.memory_space<vmem>>, vector<1x1x16xf32>,
        %swap3A_142 = vector.shape_cast %swap3A_141 : vector<1x1x16xf32> to vector<16xf32>
        %swap3A_143 = vector.shape_cast %add3A_138 : vector<16xf32> to vector<1x1x16xf32>
        tpu.vector_store %arg9[%swap3A, %swap3A_139, %swap3A_140], %swap3A_143 {strides = array<i32>} : memref<2x200x128xf32, #tpu.memory_space<vmem>>, vector<1x1x16xf32>,
        %add3A_144 = arith.constant 16 : i32
        %add3A_145 = arith.addi %squeeze3A, %add3A_144 : i32
        %get3A_146 = arith.index_cast %rem3A_57 : i32 to index
        %get3A_147 = arith.index_cast %add3A_126 : i32 to index
        %get3A_148 = arith.index_cast %add3A_145 : i32 to index
        %get3A_149 = tpu.vector_load %arg9[%get3A_146, %get3A_147, %get3A_148] {strides = array<i32>} : memref<2x200x128xf32, #tpu.memory_space<vmem>>, vector<1x1x16xf32>,
        %get3A_150 = vector.shape_cast %get3A_149 : vector<1x1x16xf32> to vector<16xf32>
        %get3A_151 = arith.index_cast %add3A_126 : i32 to index
        %get3A_152 = arith.constant 16 : index
        %get3A_153 = tpu.vector_load %arg10[%get3A_151, %get3A_152] {strides = array<i32>} : memref<200x64xf32, #tpu.memory_space<vmem>>, vector<1x16xf32>,
        %get3A_154 = vector.shape_cast %get3A_153 : vector<1x16xf32> to vector<16xf32>
        %add3A_155 = arith.addf %get3A_150, %get3A_154 : vector<16xf32>
        %swap3A_156 = arith.index_cast %rem3A_57 : i32 to index
        %swap3A_157 = arith.index_cast %add3A_126 : i32 to index
        %swap3A_158 = arith.constant 16 : index
        %swap3A_159 = tpu.vector_load %arg9[%swap3A_156, %swap3A_157, %swap3A_158] {strides = array<i32>} : memref<2x200x128xf32, #tpu.memory_space<vmem>>, vector<1x1x16xf32>,
        %swap3A_160 = vector.shape_cast %swap3A_159 : vector<1x1x16xf32> to vector<16xf32>
        %swap3A_161 = vector.shape_cast %add3A_155 : vector<16xf32> to vector<1x1x16xf32>
        tpu.vector_store %arg9[%swap3A_156, %swap3A_157, %swap3A_158], %swap3A_161 {strides = array<i32>} : memref<2x200x128xf32, #tpu.memory_space<vmem>>, vector<1x1x16xf32>,
        %add3A_162 = arith.constant 32 : i32
        %add3A_163 = arith.addi %squeeze3A, %add3A_162 : i32
        %get3A_164 = arith.index_cast %rem3A_57 : i32 to index
        %get3A_165 = arith.index_cast %add3A_126 : i32 to index
        %get3A_166 = arith.index_cast %add3A_163 : i32 to index
        %get3A_167 = tpu.vector_load %arg9[%get3A_164, %get3A_165, %get3A_166] {strides = array<i32>} : memref<2x200x128xf32, #tpu.memory_space<vmem>>, vector<1x1x16xf32>,
        %get3A_168 = vector.shape_cast %get3A_167 : vector<1x1x16xf32> to vector<16xf32>
        %get3A_169 = arith.index_cast %add3A_126 : i32 to index
        %get3A_170 = arith.constant 32 : index
        %get3A_171 = tpu.vector_load %arg10[%get3A_169, %get3A_170] {strides = array<i32>} : memref<200x64xf32, #tpu.memory_space<vmem>>, vector<1x16xf32>,
        %get3A_172 = vector.shape_cast %get3A_171 : vector<1x16xf32> to vector<16xf32>
        %add3A_173 = arith.addf %get3A_168, %get3A_172 : vector<16xf32>
        %swap3A_174 = arith.index_cast %rem3A_57 : i32 to index
        %swap3A_175 = arith.index_cast %add3A_126 : i32 to index
        %swap3A_176 = arith.constant 32 : index
        %swap3A_177 = tpu.vector_load %arg9[%swap3A_174, %swap3A_175, %swap3A_176] {strides = array<i32>} : memref<2x200x128xf32, #tpu.memory_space<vmem>>, vector<1x1x16xf32>,
        %swap3A_178 = vector.shape_cast %swap3A_177 : vector<1x1x16xf32> to vector<16xf32>
        %swap3A_179 = vector.shape_cast %add3A_173 : vector<16xf32> to vector<1x1x16xf32>
        tpu.vector_store %arg9[%swap3A_174, %swap3A_175, %swap3A_176], %swap3A_179 {strides = array<i32>} : memref<2x200x128xf32, #tpu.memory_space<vmem>>, vector<1x1x16xf32>,
        %add3A_180 = arith.constant 48 : i32
        %add3A_181 = arith.addi %squeeze3A, %add3A_180 : i32
        %get3A_182 = arith.index_cast %rem3A_57 : i32 to index
        %get3A_183 = arith.index_cast %add3A_126 : i32 to index
        %get3A_184 = arith.index_cast %add3A_181 : i32 to index
        %get3A_185 = tpu.vector_load %arg9[%get3A_182, %get3A_183, %get3A_184] {strides = array<i32>} : memref<2x200x128xf32, #tpu.memory_space<vmem>>, vector<1x1x16xf32>,
        %get3A_186 = vector.shape_cast %get3A_185 : vector<1x1x16xf32> to vector<16xf32>
        %get3A_187 = arith.index_cast %add3A_126 : i32 to index
        %get3A_188 = arith.constant 48 : index
        %get3A_189 = tpu.vector_load %arg10[%get3A_187, %get3A_188] {strides = array<i32>} : memref<200x64xf32, #tpu.memory_space<vmem>>, vector<1x16xf32>,
        %get3A_190 = vector.shape_cast %get3A_189 : vector<1x16xf32> to vector<16xf32>
        %add3A_191 = arith.addf %get3A_186, %get3A_190 : vector<16xf32>
        %swap3A_192 = arith.index_cast %rem3A_57 : i32 to index
        %swap3A_193 = arith.index_cast %add3A_126 : i32 to index
        %swap3A_194 = arith.constant 48 : index
        %swap3A_195 = tpu.vector_load %arg9[%swap3A_192, %swap3A_193, %swap3A_194] {strides = array<i32>} : memref<2x200x128xf32, #tpu.memory_space<vmem>>, vector<1x1x16xf32>,
        %swap3A_196 = vector.shape_cast %swap3A_195 : vector<1x1x16xf32> to vector<16xf32>
        %swap3A_197 = vector.shape_cast %add3A_191 : vector<16xf32> to vector<1x1x16xf32>
        tpu.vector_store %arg9[%swap3A_192, %swap3A_193, %swap3A_194], %swap3A_197 {strides = array<i32>} : memref<2x200x128xf32, #tpu.memory_space<vmem>>, vector<1x1x16xf32>,
        %mul3A_198 = arith.constant 8 : i32
        %mul3A_199 = arith.muli %scan3A_117, %mul3A_198 : i32
        %add3A_200 = arith.constant 1 : i32
        %add3A_201 = arith.addi %mul3A_199, %add3A_200 : i32
        %slice3A_202 = vector.extract_strided_slice %get3A_122 {offsets = [1], sizes = [1], strides = [1]} : vector<16xi32> to vector<1xi32>
        %squeeze3A_203 = vector.extract %slice3A_202[0] : i32 from vector<1xi32>
        %add3A_204 = arith.constant 0 : i32
        %add3A_205 = arith.addi %squeeze3A_203, %add3A_204 : i32
        %get3A_206 = arith.index_cast %rem3A_57 : i32 to index
        %get3A_207 = arith.index_cast %add3A_201 : i32 to index
        %get3A_208 = arith.index_cast %add3A_205 : i32 to index
        %get3A_209 = tpu.vector_load %arg9[%get3A_206, %get3A_207, %get3A_208] {strides = array<i32>} : memref<2x200x128xf32, #tpu.memory_space<vmem>>, vector<1x1x16xf32>,
        %get3A_210 = vector.shape_cast %get3A_209 : vector<1x1x16xf32> to vector<16xf32>
        %get3A_211 = arith.index_cast %add3A_201 : i32 to index
        %get3A_212 = arith.constant 0 : index
        %get3A_213 = tpu.vector_load %arg10[%get3A_211, %get3A_212] {strides = array<i32>} : memref<200x64xf32, #tpu.memory_space<vmem>>, vector<1x16xf32>,
        %get3A_214 = vector.shape_cast %get3A_213 : vector<1x16xf32> to vector<16xf32>
        %add3A_215 = arith.addf %get3A_210, %get3A_214 : vector<16xf32>
        %swap3A_216 = arith.index_cast %rem3A_57 : i32 to index
        %swap3A_217 = arith.index_cast %add3A_201 : i32 to index
        %swap3A_218 = arith.constant 0 : index
        %swap3A_219 = tpu.vector_load %arg9[%swap3A_216, %swap3A_217, %swap3A_218] {strides = array<i32>} : memref<2x200x128xf32, #tpu.memory_space<vmem>>, vector<1x1x16xf32>,
        %swap3A_220 = vector.shape_cast %swap3A_219 : vector<1x1x16xf32> to vector<16xf32>
        %swap3A_221 = vector.shape_cast %add3A_215 : vector<16xf32> to vector<1x1x16xf32>
        tpu.vector_store %arg9[%swap3A_216, %swap3A_217, %swap3A_218], %swap3A_221 {strides = array<i32>} : memref<2x200x128xf32, #tpu.memory_space<vmem>>, vector<1x1x16xf32>,
        %add3A_222 = arith.constant 16 : i32
        %add3A_223 = arith.addi %squeeze3A_203, %add3A_222 : i32
        %get3A_224 = arith.index_cast %rem3A_57 : i32 to index
        %get3A_225 = arith.index_cast %add3A_201 : i32 to index
        %get3A_226 = arith.index_cast %add3A_223 : i32 to index
        %get3A_227 = tpu.vector_load %arg9[%get3A_224, %get3A_225, %get3A_226] {strides = array<i32>} : memref<2x200x128xf32, #tpu.memory_space<vmem>>, vector<1x1x16xf32>,
        %get3A_228 = vector.shape_cast %get3A_227 : vector<1x1x16xf32> to vector<16xf32>
        %get3A_229 = arith.index_cast %add3A_201 : i32 to index
        %get3A_230 = arith.constant 16 : index
        %get3A_231 = tpu.vector_load %arg10[%get3A_229, %get3A_230] {strides = array<i32>} : memref<200x64xf32, #tpu.memory_space<vmem>>, vector<1x16xf32>,
        %get3A_232 = vector.shape_cast %get3A_231 : vector<1x16xf32> to vector<16xf32>
        %add3A_233 = arith.addf %get3A_228, %get3A_232 : vector<16xf32>
        %swap3A_234 = arith.index_cast %rem3A_57 : i32 to index
        %swap3A_235 = arith.index_cast %add3A_201 : i32 to index
        %swap3A_236 = arith.constant 16 : index
        %swap3A_237 = tpu.vector_load %arg9[%swap3A_234, %swap3A_235, %swap3A_236] {strides = array<i32>} : memref<2x200x128xf32, #tpu.memory_space<vmem>>, vector<1x1x16xf32>,
        %swap3A_238 = vector.shape_cast %swap3A_237 : vector<1x1x16xf32> to vector<16xf32>
        %swap3A_239 = vector.shape_cast %add3A_233 : vector<16xf32> to vector<1x1x16xf32>
        tpu.vector_store %arg9[%swap3A_234, %swap3A_235, %swap3A_236], %swap3A_239 {strides = array<i32>} : memref<2x200x128xf32, #tpu.memory_space<vmem>>, vector<1x1x16xf32>,
        %add3A_240 = arith.constant 32 : i32
        %add3A_241 = arith.addi %squeeze3A_203, %add3A_240 : i32
        %get3A_242 = arith.index_cast %rem3A_57 : i32 to index
        %get3A_243 = arith.index_cast %add3A_201 : i32 to index
        %get3A_244 = arith.index_cast %add3A_241 : i32 to index
        %get3A_245 = tpu.vector_load %arg9[%get3A_242, %get3A_243, %get3A_244] {strides = array<i32>} : memref<2x200x128xf32, #tpu.memory_space<vmem>>, vector<1x1x16xf32>,
        %get3A_246 = vector.shape_cast %get3A_245 : vector<1x1x16xf32> to vector<16xf32>
        %get3A_247 = arith.index_cast %add3A_201 : i32 to index
        %get3A_248 = arith.constant 32 : index
        %get3A_249 = tpu.vector_load %arg10[%get3A_247, %get3A_248] {strides = array<i32>} : memref<200x64xf32, #tpu.memory_space<vmem>>, vector<1x16xf32>,
        %get3A_250 = vector.shape_cast %get3A_249 : vector<1x16xf32> to vector<16xf32>
        %add3A_251 = arith.addf %get3A_246, %get3A_250 : vector<16xf32>
        %swap3A_252 = arith.index_cast %rem3A_57 : i32 to index
        %swap3A_253 = arith.index_cast %add3A_201 : i32 to index
        %swap3A_254 = arith.constant 32 : index
        %swap3A_255 = tpu.vector_load %arg9[%swap3A_252, %swap3A_253, %swap3A_254] {strides = array<i32>} : memref<2x200x128xf32, #tpu.memory_space<vmem>>, vector<1x1x16xf32>,
        %swap3A_256 = vector.shape_cast %swap3A_255 : vector<1x1x16xf32> to vector<16xf32>
        %swap3A_257 = vector.shape_cast %add3A_251 : vector<16xf32> to vector<1x1x16xf32>
        tpu.vector_store %arg9[%swap3A_252, %swap3A_253, %swap3A_254], %swap3A_257 {strides = array<i32>} : memref<2x200x128xf32, #tpu.memory_space<vmem>>, vector<1x1x16xf32>,
        %add3A_258 = arith.constant 48 : i32
        %add3A_259 = arith.addi %squeeze3A_203, %add3A_258 : i32
        %get3A_260 = arith.index_cast %rem3A_57 : i32 to index
        %get3A_261 = arith.index_cast %add3A_201 : i32 to index
        %get3A_262 = arith.index_cast %add3A_259 : i32 to index
        %get3A_263 = tpu.vector_load %arg9[%get3A_260, %get3A_261, %get3A_262] {strides = array<i32>} : memref<2x200x128xf32, #tpu.memory_space<vmem>>, vector<1x1x16xf32>,
        %get3A_264 = vector.shape_cast %get3A_263 : vector<1x1x16xf32> to vector<16xf32>
        %get3A_265 = arith.index_cast %add3A_201 : i32 to index
        %get3A_266 = arith.constant 48 : index
        %get3A_267 = tpu.vector_load %arg10[%get3A_265, %get3A_266] {strides = array<i32>} : memref<200x64xf32, #tpu.memory_space<vmem>>, vector<1x16xf32>,
        %get3A_268 = vector.shape_cast %get3A_267 : vector<1x16xf32> to vector<16xf32>
        %add3A_269 = arith.addf %get3A_264, %get3A_268 : vector<16xf32>
        %swap3A_270 = arith.index_cast %rem3A_57 : i32 to index
        %swap3A_271 = arith.index_cast %add3A_201 : i32 to index
        %swap3A_272 = arith.constant 48 : index
        %swap3A_273 = tpu.vector_load %arg9[%swap3A_270, %swap3A_271, %swap3A_272] {strides = array<i32>} : memref<2x200x128xf32, #tpu.memory_space<vmem>>, vector<1x1x16xf32>,
        %swap3A_274 = vector.shape_cast %swap3A_273 : vector<1x1x16xf32> to vector<16xf32>
        %swap3A_275 = vector.shape_cast %add3A_269 : vector<16xf32> to vector<1x1x16xf32>
        tpu.vector_store %arg9[%swap3A_270, %swap3A_271, %swap3A_272], %swap3A_275 {strides = array<i32>} : memref<2x200x128xf32, #tpu.memory_space<vmem>>, vector<1x1x16xf32>,
        %mul3A_276 = arith.constant 8 : i32
        %mul3A_277 = arith.muli %scan3A_117, %mul3A_276 : i32
        %add3A_278 = arith.constant 2 : i32
        %add3A_279 = arith.addi %mul3A_277, %add3A_278 : i32
        %slice3A_280 = vector.extract_strided_slice %get3A_122 {offsets = [2], sizes = [1], strides = [1]} : vector<16xi32> to vector<1xi32>
        %squeeze3A_281 = vector.extract %slice3A_280[0] : i32 from vector<1xi32>
        %add3A_282 = arith.constant 0 : i32
        %add3A_283 = arith.addi %squeeze3A_281, %add3A_282 : i32
        %get3A_284 = arith.index_cast %rem3A_57 : i32 to index
        %get3A_285 = arith.index_cast %add3A_279 : i32 to index
        %get3A_286 = arith.index_cast %add3A_283 : i32 to index
        %get3A_287 = tpu.vector_load %arg9[%get3A_284, %get3A_285, %get3A_286] {strides = array<i32>} : memref<2x200x128xf32, #tpu.memory_space<vmem>>, vector<1x1x16xf32>,
        %get3A_288 = vector.shape_cast %get3A_287 : vector<1x1x16xf32> to vector<16xf32>
        %get3A_289 = arith.index_cast %add3A_279 : i32 to index
        %get3A_290 = arith.constant 0 : index
        %get3A_291 = tpu.vector_load %arg10[%get3A_289, %get3A_290] {strides = array<i32>} : memref<200x64xf32, #tpu.memory_space<vmem>>, vector<1x16xf32>,
        %get3A_292 = vector.shape_cast %get3A_291 : vector<1x16xf32> to vector<16xf32>
        %add3A_293 = arith.addf %get3A_288, %get3A_292 : vector<16xf32>
        %swap3A_294 = arith.index_cast %rem3A_57 : i32 to index
        %swap3A_295 = arith.index_cast %add3A_279 : i32 to index
        %swap3A_296 = arith.constant 0 : index
        %swap3A_297 = tpu.vector_load %arg9[%swap3A_294, %swap3A_295, %swap3A_296] {strides = array<i32>} : memref<2x200x128xf32, #tpu.memory_space<vmem>>, vector<1x1x16xf32>,
        %swap3A_298 = vector.shape_cast %swap3A_297 : vector<1x1x16xf32> to vector<16xf32>
        %swap3A_299 = vector.shape_cast %add3A_293 : vector<16xf32> to vector<1x1x16xf32>
        tpu.vector_store %arg9[%swap3A_294, %swap3A_295, %swap3A_296], %swap3A_299 {strides = array<i32>} : memref<2x200x128xf32, #tpu.memory_space<vmem>>, vector<1x1x16xf32>,
        %add3A_300 = arith.constant 16 : i32
        %add3A_301 = arith.addi %squeeze3A_281, %add3A_300 : i32
        %get3A_302 = arith.index_cast %rem3A_57 : i32 to index
        %get3A_303 = arith.index_cast %add3A_279 : i32 to index
        %get3A_304 = arith.index_cast %add3A_301 : i32 to index
        %get3A_305 = tpu.vector_load %arg9[%get3A_302, %get3A_303, %get3A_304] {strides = array<i32>} : memref<2x200x128xf32, #tpu.memory_space<vmem>>, vector<1x1x16xf32>,
        %get3A_306 = vector.shape_cast %get3A_305 : vector<1x1x16xf32> to vector<16xf32>
        %get3A_307 = arith.index_cast %add3A_279 : i32 to index
        %get3A_308 = arith.constant 16 : index
        %get3A_309 = tpu.vector_load %arg10[%get3A_307, %get3A_308] {strides = array<i32>} : memref<200x64xf32, #tpu.memory_space<vmem>>, vector<1x16xf32>,
        %get3A_310 = vector.shape_cast %get3A_309 : vector<1x16xf32> to vector<16xf32>
        %add3A_311 = arith.addf %get3A_306, %get3A_310 : vector<16xf32>
        %swap3A_312 = arith.index_cast %rem3A_57 : i32 to index
        %swap3A_313 = arith.index_cast %add3A_279 : i32 to index
        %swap3A_314 = arith.constant 16 : index
        %swap3A_315 = tpu.vector_load %arg9[%swap3A_312, %swap3A_313, %swap3A_314] {strides = array<i32>} : memref<2x200x128xf32, #tpu.memory_space<vmem>>, vector<1x1x16xf32>,
        %swap3A_316 = vector.shape_cast %swap3A_315 : vector<1x1x16xf32> to vector<16xf32>
        %swap3A_317 = vector.shape_cast %add3A_311 : vector<16xf32> to vector<1x1x16xf32>
        tpu.vector_store %arg9[%swap3A_312, %swap3A_313, %swap3A_314], %swap3A_317 {strides = array<i32>} : memref<2x200x128xf32, #tpu.memory_space<vmem>>, vector<1x1x16xf32>,
        %add3A_318 = arith.constant 32 : i32
        %add3A_319 = arith.addi %squeeze3A_281, %add3A_318 : i32
        %get3A_320 = arith.index_cast %rem3A_57 : i32 to index
        %get3A_321 = arith.index_cast %add3A_279 : i32 to index
        %get3A_322 = arith.index_cast %add3A_319 : i32 to index
        %get3A_323 = tpu.vector_load %arg9[%get3A_320, %get3A_321, %get3A_322] {strides = array<i32>} : memref<2x200x128xf32, #tpu.memory_space<vmem>>, vector<1x1x16xf32>,
        %get3A_324 = vector.shape_cast %get3A_323 : vector<1x1x16xf32> to vector<16xf32>
        %get3A_325 = arith.index_cast %add3A_279 : i32 to index
        %get3A_326 = arith.constant 32 : index
        %get3A_327 = tpu.vector_load %arg10[%get3A_325, %get3A_326] {strides = array<i32>} : memref<200x64xf32, #tpu.memory_space<vmem>>, vector<1x16xf32>,
        %get3A_328 = vector.shape_cast %get3A_327 : vector<1x16xf32> to vector<16xf32>
        %add3A_329 = arith.addf %get3A_324, %get3A_328 : vector<16xf32>
        %swap3A_330 = arith.index_cast %rem3A_57 : i32 to index
        %swap3A_331 = arith.index_cast %add3A_279 : i32 to index
        %swap3A_332 = arith.constant 32 : index
        %swap3A_333 = tpu.vector_load %arg9[%swap3A_330, %swap3A_331, %swap3A_332] {strides = array<i32>} : memref<2x200x128xf32, #tpu.memory_space<vmem>>, vector<1x1x16xf32>,
        %swap3A_334 = vector.shape_cast %swap3A_333 : vector<1x1x16xf32> to vector<16xf32>
        %swap3A_335 = vector.shape_cast %add3A_329 : vector<16xf32> to vector<1x1x16xf32>
        tpu.vector_store %arg9[%swap3A_330, %swap3A_331, %swap3A_332], %swap3A_335 {strides = array<i32>} : memref<2x200x128xf32, #tpu.memory_space<vmem>>, vector<1x1x16xf32>,
        %add3A_336 = arith.constant 48 : i32
        %add3A_337 = arith.addi %squeeze3A_281, %add3A_336 : i32
        %get3A_338 = arith.index_cast %rem3A_57 : i32 to index
        %get3A_339 = arith.index_cast %add3A_279 : i32 to index
        %get3A_340 = arith.index_cast %add3A_337 : i32 to index
        %get3A_341 = tpu.vector_load %arg9[%get3A_338, %get3A_339, %get3A_340] {strides = array<i32>} : memref<2x200x128xf32, #tpu.memory_space<vmem>>, vector<1x1x16xf32>,
        %get3A_342 = vector.shape_cast %get3A_341 : vector<1x1x16xf32> to vector<16xf32>
        %get3A_343 = arith.index_cast %add3A_279 : i32 to index
        %get3A_344 = arith.constant 48 : index
        %get3A_345 = tpu.vector_load %arg10[%get3A_343, %get3A_344] {strides = array<i32>} : memref<200x64xf32, #tpu.memory_space<vmem>>, vector<1x16xf32>,
        %get3A_346 = vector.shape_cast %get3A_345 : vector<1x16xf32> to vector<16xf32>
        %add3A_347 = arith.addf %get3A_342, %get3A_346 : vector<16xf32>
        %swap3A_348 = arith.index_cast %rem3A_57 : i32 to index
        %swap3A_349 = arith.index_cast %add3A_279 : i32 to index
        %swap3A_350 = arith.constant 48 : index
        %swap3A_351 = tpu.vector_load %arg9[%swap3A_348, %swap3A_349, %swap3A_350] {strides = array<i32>} : memref<2x200x128xf32, #tpu.memory_space<vmem>>, vector<1x1x16xf32>,
        %swap3A_352 = vector.shape_cast %swap3A_351 : vector<1x1x16xf32> to vector<16xf32>
        %swap3A_353 = vector.shape_cast %add3A_347 : vector<16xf32> to vector<1x1x16xf32>
        tpu.vector_store %arg9[%swap3A_348, %swap3A_349, %swap3A_350], %swap3A_353 {strides = array<i32>} : memref<2x200x128xf32, #tpu.memory_space<vmem>>, vector<1x1x16xf32>,
        %mul3A_354 = arith.constant 8 : i32
        %mul3A_355 = arith.muli %scan3A_117, %mul3A_354 : i32
        %add3A_356 = arith.constant 3 : i32
        %add3A_357 = arith.addi %mul3A_355, %add3A_356 : i32
        %slice3A_358 = vector.extract_strided_slice %get3A_122 {offsets = [3], sizes = [1], strides = [1]} : vector<16xi32> to vector<1xi32>
        %squeeze3A_359 = vector.extract %slice3A_358[0] : i32 from vector<1xi32>
        %add3A_360 = arith.constant 0 : i32
        %add3A_361 = arith.addi %squeeze3A_359, %add3A_360 : i32
        %get3A_362 = arith.index_cast %rem3A_57 : i32 to index
        %get3A_363 = arith.index_cast %add3A_357 : i32 to index
        %get3A_364 = arith.index_cast %add3A_361 : i32 to index
        %get3A_365 = tpu.vector_load %arg9[%get3A_362, %get3A_363, %get3A_364] {strides = array<i32>} : memref<2x200x128xf32, #tpu.memory_space<vmem>>, vector<1x1x16xf32>,
        %get3A_366 = vector.shape_cast %get3A_365 : vector<1x1x16xf32> to vector<16xf32>
        %get3A_367 = arith.index_cast %add3A_357 : i32 to index
        %get3A_368 = arith.constant 0 : index
        %get3A_369 = tpu.vector_load %arg10[%get3A_367, %get3A_368] {strides = array<i32>} : memref<200x64xf32, #tpu.memory_space<vmem>>, vector<1x16xf32>,
        %get3A_370 = vector.shape_cast %get3A_369 : vector<1x16xf32> to vector<16xf32>
        %add3A_371 = arith.addf %get3A_366, %get3A_370 : vector<16xf32>
        %swap3A_372 = arith.index_cast %rem3A_57 : i32 to index
        %swap3A_373 = arith.index_cast %add3A_357 : i32 to index
        %swap3A_374 = arith.constant 0 : index
        %swap3A_375 = tpu.vector_load %arg9[%swap3A_372, %swap3A_373, %swap3A_374] {strides = array<i32>} : memref<2x200x128xf32, #tpu.memory_space<vmem>>, vector<1x1x16xf32>,
        %swap3A_376 = vector.shape_cast %swap3A_375 : vector<1x1x16xf32> to vector<16xf32>
        %swap3A_377 = vector.shape_cast %add3A_371 : vector<16xf32> to vector<1x1x16xf32>
        tpu.vector_store %arg9[%swap3A_372, %swap3A_373, %swap3A_374], %swap3A_377 {strides = array<i32>} : memref<2x200x128xf32, #tpu.memory_space<vmem>>, vector<1x1x16xf32>,
        %add3A_378 = arith.constant 16 : i32
        %add3A_379 = arith.addi %squeeze3A_359, %add3A_378 : i32
        %get3A_380 = arith.index_cast %rem3A_57 : i32 to index
        %get3A_381 = arith.index_cast %add3A_357 : i32 to index
        %get3A_382 = arith.index_cast %add3A_379 : i32 to index
        %get3A_383 = tpu.vector_load %arg9[%get3A_380, %get3A_381, %get3A_382] {strides = array<i32>} : memref<2x200x128xf32, #tpu.memory_space<vmem>>, vector<1x1x16xf32>,
        %get3A_384 = vector.shape_cast %get3A_383 : vector<1x1x16xf32> to vector<16xf32>
        %get3A_385 = arith.index_cast %add3A_357 : i32 to index
        %get3A_386 = arith.constant 16 : index
        %get3A_387 = tpu.vector_load %arg10[%get3A_385, %get3A_386] {strides = array<i32>} : memref<200x64xf32, #tpu.memory_space<vmem>>, vector<1x16xf32>,
        %get3A_388 = vector.shape_cast %get3A_387 : vector<1x16xf32> to vector<16xf32>
        %add3A_389 = arith.addf %get3A_384, %get3A_388 : vector<16xf32>
        %swap3A_390 = arith.index_cast %rem3A_57 : i32 to index
        %swap3A_391 = arith.index_cast %add3A_357 : i32 to index
        %swap3A_392 = arith.constant 16 : index
        %swap3A_393 = tpu.vector_load %arg9[%swap3A_390, %swap3A_391, %swap3A_392] {strides = array<i32>} : memref<2x200x128xf32, #tpu.memory_space<vmem>>, vector<1x1x16xf32>,
        %swap3A_394 = vector.shape_cast %swap3A_393 : vector<1x1x16xf32> to vector<16xf32>
        %swap3A_395 = vector.shape_cast %add3A_389 : vector<16xf32> to vector<1x1x16xf32>
        tpu.vector_store %arg9[%swap3A_390, %swap3A_391, %swap3A_392], %swap3A_395 {strides = array<i32>} : memref<2x200x128xf32, #tpu.memory_space<vmem>>, vector<1x1x16xf32>,
        %add3A_396 = arith.constant 32 : i32
        %add3A_397 = arith.addi %squeeze3A_359, %add3A_396 : i32
        %get3A_398 = arith.index_cast %rem3A_57 : i32 to index
        %get3A_399 = arith.index_cast %add3A_357 : i32 to index
        %get3A_400 = arith.index_cast %add3A_397 : i32 to index
        %get3A_401 = tpu.vector_load %arg9[%get3A_398, %get3A_399, %get3A_400] {strides = array<i32>} : memref<2x200x128xf32, #tpu.memory_space<vmem>>, vector<1x1x16xf32>,
        %get3A_402 = vector.shape_cast %get3A_401 : vector<1x1x16xf32> to vector<16xf32>
        %get3A_403 = arith.index_cast %add3A_357 : i32 to index
        %get3A_404 = arith.constant 32 : index
        %get3A_405 = tpu.vector_load %arg10[%get3A_403, %get3A_404] {strides = array<i32>} : memref<200x64xf32, #tpu.memory_space<vmem>>, vector<1x16xf32>,
        %get3A_406 = vector.shape_cast %get3A_405 : vector<1x16xf32> to vector<16xf32>
        %add3A_407 = arith.addf %get3A_402, %get3A_406 : vector<16xf32>
        %swap3A_408 = arith.index_cast %rem3A_57 : i32 to index
        %swap3A_409 = arith.index_cast %add3A_357 : i32 to index
        %swap3A_410 = arith.constant 32 : index
        %swap3A_411 = tpu.vector_load %arg9[%swap3A_408, %swap3A_409, %swap3A_410] {strides = array<i32>} : memref<2x200x128xf32, #tpu.memory_space<vmem>>, vector<1x1x16xf32>,
        %swap3A_412 = vector.shape_cast %swap3A_411 : vector<1x1x16xf32> to vector<16xf32>
        %swap3A_413 = vector.shape_cast %add3A_407 : vector<16xf32> to vector<1x1x16xf32>
        tpu.vector_store %arg9[%swap3A_408, %swap3A_409, %swap3A_410], %swap3A_413 {strides = array<i32>} : memref<2x200x128xf32, #tpu.memory_space<vmem>>, vector<1x1x16xf32>,
        %add3A_414 = arith.constant 48 : i32
        %add3A_415 = arith.addi %squeeze3A_359, %add3A_414 : i32
        %get3A_416 = arith.index_cast %rem3A_57 : i32 to index
        %get3A_417 = arith.index_cast %add3A_357 : i32 to index
        %get3A_418 = arith.index_cast %add3A_415 : i32 to index
        %get3A_419 = tpu.vector_load %arg9[%get3A_416, %get3A_417, %get3A_418] {strides = array<i32>} : memref<2x200x128xf32, #tpu.memory_space<vmem>>, vector<1x1x16xf32>,
        %get3A_420 = vector.shape_cast %get3A_419 : vector<1x1x16xf32> to vector<16xf32>
        %get3A_421 = arith.index_cast %add3A_357 : i32 to index
        %get3A_422 = arith.constant 48 : index
        %get3A_423 = tpu.vector_load %arg10[%get3A_421, %get3A_422] {strides = array<i32>} : memref<200x64xf32, #tpu.memory_space<vmem>>, vector<1x16xf32>,
        %get3A_424 = vector.shape_cast %get3A_423 : vector<1x16xf32> to vector<16xf32>
        %add3A_425 = arith.addf %get3A_420, %get3A_424 : vector<16xf32>
        %swap3A_426 = arith.index_cast %rem3A_57 : i32 to index
        %swap3A_427 = arith.index_cast %add3A_357 : i32 to index
        %swap3A_428 = arith.constant 48 : index
        %swap3A_429 = tpu.vector_load %arg9[%swap3A_426, %swap3A_427, %swap3A_428] {strides = array<i32>} : memref<2x200x128xf32, #tpu.memory_space<vmem>>, vector<1x1x16xf32>,
        %swap3A_430 = vector.shape_cast %swap3A_429 : vector<1x1x16xf32> to vector<16xf32>
        %swap3A_431 = vector.shape_cast %add3A_425 : vector<16xf32> to vector<1x1x16xf32>
        tpu.vector_store %arg9[%swap3A_426, %swap3A_427, %swap3A_428], %swap3A_431 {strides = array<i32>} : memref<2x200x128xf32, #tpu.memory_space<vmem>>, vector<1x1x16xf32>,
        %mul3A_432 = arith.constant 8 : i32
        %mul3A_433 = arith.muli %scan3A_117, %mul3A_432 : i32
        %add3A_434 = arith.constant 4 : i32
        %add3A_435 = arith.addi %mul3A_433, %add3A_434 : i32
        %slice3A_436 = vector.extract_strided_slice %get3A_122 {offsets = [4], sizes = [1], strides = [1]} : vector<16xi32> to vector<1xi32>
        %squeeze3A_437 = vector.extract %slice3A_436[0] : i32 from vector<1xi32>
        %add3A_438 = arith.constant 0 : i32
        %add3A_439 = arith.addi %squeeze3A_437, %add3A_438 : i32
        %get3A_440 = arith.index_cast %rem3A_57 : i32 to index
        %get3A_441 = arith.index_cast %add3A_435 : i32 to index
        %get3A_442 = arith.index_cast %add3A_439 : i32 to index
        %get3A_443 = tpu.vector_load %arg9[%get3A_440, %get3A_441, %get3A_442] {strides = array<i32>} : memref<2x200x128xf32, #tpu.memory_space<vmem>>, vector<1x1x16xf32>,
        %get3A_444 = vector.shape_cast %get3A_443 : vector<1x1x16xf32> to vector<16xf32>
        %get3A_445 = arith.index_cast %add3A_435 : i32 to index
        %get3A_446 = arith.constant 0 : index
        %get3A_447 = tpu.vector_load %arg10[%get3A_445, %get3A_446] {strides = array<i32>} : memref<200x64xf32, #tpu.memory_space<vmem>>, vector<1x16xf32>,
        %get3A_448 = vector.shape_cast %get3A_447 : vector<1x16xf32> to vector<16xf32>
        %add3A_449 = arith.addf %get3A_444, %get3A_448 : vector<16xf32>
        %swap3A_450 = arith.index_cast %rem3A_57 : i32 to index
        %swap3A_451 = arith.index_cast %add3A_435 : i32 to index
        %swap3A_452 = arith.constant 0 : index
        %swap3A_453 = tpu.vector_load %arg9[%swap3A_450, %swap3A_451, %swap3A_452] {strides = array<i32>} : memref<2x200x128xf32, #tpu.memory_space<vmem>>, vector<1x1x16xf32>,
        %swap3A_454 = vector.shape_cast %swap3A_453 : vector<1x1x16xf32> to vector<16xf32>
        %swap3A_455 = vector.shape_cast %add3A_449 : vector<16xf32> to vector<1x1x16xf32>
        tpu.vector_store %arg9[%swap3A_450, %swap3A_451, %swap3A_452], %swap3A_455 {strides = array<i32>} : memref<2x200x128xf32, #tpu.memory_space<vmem>>, vector<1x1x16xf32>,
        %add3A_456 = arith.constant 16 : i32
        %add3A_457 = arith.addi %squeeze3A_437, %add3A_456 : i32
        %get3A_458 = arith.index_cast %rem3A_57 : i32 to index
        %get3A_459 = arith.index_cast %add3A_435 : i32 to index
        %get3A_460 = arith.index_cast %add3A_457 : i32 to index
        %get3A_461 = tpu.vector_load %arg9[%get3A_458, %get3A_459, %get3A_460] {strides = array<i32>} : memref<2x200x128xf32, #tpu.memory_space<vmem>>, vector<1x1x16xf32>,
        %get3A_462 = vector.shape_cast %get3A_461 : vector<1x1x16xf32> to vector<16xf32>
        %get3A_463 = arith.index_cast %add3A_435 : i32 to index
        %get3A_464 = arith.constant 16 : index
        %get3A_465 = tpu.vector_load %arg10[%get3A_463, %get3A_464] {strides = array<i32>} : memref<200x64xf32, #tpu.memory_space<vmem>>, vector<1x16xf32>,
        %get3A_466 = vector.shape_cast %get3A_465 : vector<1x16xf32> to vector<16xf32>
        %add3A_467 = arith.addf %get3A_462, %get3A_466 : vector<16xf32>
        %swap3A_468 = arith.index_cast %rem3A_57 : i32 to index
        %swap3A_469 = arith.index_cast %add3A_435 : i32 to index
        %swap3A_470 = arith.constant 16 : index
        %swap3A_471 = tpu.vector_load %arg9[%swap3A_468, %swap3A_469, %swap3A_470] {strides = array<i32>} : memref<2x200x128xf32, #tpu.memory_space<vmem>>, vector<1x1x16xf32>,
        %swap3A_472 = vector.shape_cast %swap3A_471 : vector<1x1x16xf32> to vector<16xf32>
        %swap3A_473 = vector.shape_cast %add3A_467 : vector<16xf32> to vector<1x1x16xf32>
        tpu.vector_store %arg9[%swap3A_468, %swap3A_469, %swap3A_470], %swap3A_473 {strides = array<i32>} : memref<2x200x128xf32, #tpu.memory_space<vmem>>, vector<1x1x16xf32>,
        %add3A_474 = arith.constant 32 : i32
        %add3A_475 = arith.addi %squeeze3A_437, %add3A_474 : i32
        %get3A_476 = arith.index_cast %rem3A_57 : i32 to index
        %get3A_477 = arith.index_cast %add3A_435 : i32 to index
        %get3A_478 = arith.index_cast %add3A_475 : i32 to index
        %get3A_479 = tpu.vector_load %arg9[%get3A_476, %get3A_477, %get3A_478] {strides = array<i32>} : memref<2x200x128xf32, #tpu.memory_space<vmem>>, vector<1x1x16xf32>,
        %get3A_480 = vector.shape_cast %get3A_479 : vector<1x1x16xf32> to vector<16xf32>
        %get3A_481 = arith.index_cast %add3A_435 : i32 to index
        %get3A_482 = arith.constant 32 : index
        %get3A_483 = tpu.vector_load %arg10[%get3A_481, %get3A_482] {strides = array<i32>} : memref<200x64xf32, #tpu.memory_space<vmem>>, vector<1x16xf32>,
        %get3A_484 = vector.shape_cast %get3A_483 : vector<1x16xf32> to vector<16xf32>
        %add3A_485 = arith.addf %get3A_480, %get3A_484 : vector<16xf32>
        %swap3A_486 = arith.index_cast %rem3A_57 : i32 to index
        %swap3A_487 = arith.index_cast %add3A_435 : i32 to index
        %swap3A_488 = arith.constant 32 : index
        %swap3A_489 = tpu.vector_load %arg9[%swap3A_486, %swap3A_487, %swap3A_488] {strides = array<i32>} : memref<2x200x128xf32, #tpu.memory_space<vmem>>, vector<1x1x16xf32>,
        %swap3A_490 = vector.shape_cast %swap3A_489 : vector<1x1x16xf32> to vector<16xf32>
        %swap3A_491 = vector.shape_cast %add3A_485 : vector<16xf32> to vector<1x1x16xf32>
        tpu.vector_store %arg9[%swap3A_486, %swap3A_487, %swap3A_488], %swap3A_491 {strides = array<i32>} : memref<2x200x128xf32, #tpu.memory_space<vmem>>, vector<1x1x16xf32>,
        %add3A_492 = arith.constant 48 : i32
        %add3A_493 = arith.addi %squeeze3A_437, %add3A_492 : i32
        %get3A_494 = arith.index_cast %rem3A_57 : i32 to index
        %get3A_495 = arith.index_cast %add3A_435 : i32 to index
        %get3A_496 = arith.index_cast %add3A_493 : i32 to index
        %get3A_497 = tpu.vector_load %arg9[%get3A_494, %get3A_495, %get3A_496] {strides = array<i32>} : memref<2x200x128xf32, #tpu.memory_space<vmem>>, vector<1x1x16xf32>,
        %get3A_498 = vector.shape_cast %get3A_497 : vector<1x1x16xf32> to vector<16xf32>
        %get3A_499 = arith.index_cast %add3A_435 : i32 to index
        %get3A_500 = arith.constant 48 : index
        %get3A_501 = tpu.vector_load %arg10[%get3A_499, %get3A_500] {strides = array<i32>} : memref<200x64xf32, #tpu.memory_space<vmem>>, vector<1x16xf32>,
        %get3A_502 = vector.shape_cast %get3A_501 : vector<1x16xf32> to vector<16xf32>
        %add3A_503 = arith.addf %get3A_498, %get3A_502 : vector<16xf32>
        %swap3A_504 = arith.index_cast %rem3A_57 : i32 to index
        %swap3A_505 = arith.index_cast %add3A_435 : i32 to index
        %swap3A_506 = arith.constant 48 : index
        %swap3A_507 = tpu.vector_load %arg9[%swap3A_504, %swap3A_505, %swap3A_506] {strides = array<i32>} : memref<2x200x128xf32, #tpu.memory_space<vmem>>, vector<1x1x16xf32>,
        %swap3A_508 = vector.shape_cast %swap3A_507 : vector<1x1x16xf32> to vector<16xf32>
        %swap3A_509 = vector.shape_cast %add3A_503 : vector<16xf32> to vector<1x1x16xf32>
        tpu.vector_store %arg9[%swap3A_504, %swap3A_505, %swap3A_506], %swap3A_509 {strides = array<i32>} : memref<2x200x128xf32, #tpu.memory_space<vmem>>, vector<1x1x16xf32>,
        %mul3A_510 = arith.constant 8 : i32
        %mul3A_511 = arith.muli %scan3A_117, %mul3A_510 : i32
        %add3A_512 = arith.constant 5 : i32
        %add3A_513 = arith.addi %mul3A_511, %add3A_512 : i32
        %slice3A_514 = vector.extract_strided_slice %get3A_122 {offsets = [5], sizes = [1], strides = [1]} : vector<16xi32> to vector<1xi32>
        %squeeze3A_515 = vector.extract %slice3A_514[0] : i32 from vector<1xi32>
        %add3A_516 = arith.constant 0 : i32
        %add3A_517 = arith.addi %squeeze3A_515, %add3A_516 : i32
        %get3A_518 = arith.index_cast %rem3A_57 : i32 to index
        %get3A_519 = arith.index_cast %add3A_513 : i32 to index
        %get3A_520 = arith.index_cast %add3A_517 : i32 to index
        %get3A_521 = tpu.vector_load %arg9[%get3A_518, %get3A_519, %get3A_520] {strides = array<i32>} : memref<2x200x128xf32, #tpu.memory_space<vmem>>, vector<1x1x16xf32>,
        %get3A_522 = vector.shape_cast %get3A_521 : vector<1x1x16xf32> to vector<16xf32>
        %get3A_523 = arith.index_cast %add3A_513 : i32 to index
        %get3A_524 = arith.constant 0 : index
        %get3A_525 = tpu.vector_load %arg10[%get3A_523, %get3A_524] {strides = array<i32>} : memref<200x64xf32, #tpu.memory_space<vmem>>, vector<1x16xf32>,
        %get3A_526 = vector.shape_cast %get3A_525 : vector<1x16xf32> to vector<16xf32>
        %add3A_527 = arith.addf %get3A_522, %get3A_526 : vector<16xf32>
        %swap3A_528 = arith.index_cast %rem3A_57 : i32 to index
        %swap3A_529 = arith.index_cast %add3A_513 : i32 to index
        %swap3A_530 = arith.constant 0 : index
        %swap3A_531 = tpu.vector_load %arg9[%swap3A_528, %swap3A_529, %swap3A_530] {strides = array<i32>} : memref<2x200x128xf32, #tpu.memory_space<vmem>>, vector<1x1x16xf32>,
        %swap3A_532 = vector.shape_cast %swap3A_531 : vector<1x1x16xf32> to vector<16xf32>
        %swap3A_533 = vector.shape_cast %add3A_527 : vector<16xf32> to vector<1x1x16xf32>
        tpu.vector_store %arg9[%swap3A_528, %swap3A_529, %swap3A_530], %swap3A_533 {strides = array<i32>} : memref<2x200x128xf32, #tpu.memory_space<vmem>>, vector<1x1x16xf32>,
        %add3A_534 = arith.constant 16 : i32
        %add3A_535 = arith.addi %squeeze3A_515, %add3A_534 : i32
        %get3A_536 = arith.index_cast %rem3A_57 : i32 to index
        %get3A_537 = arith.index_cast %add3A_513 : i32 to index
        %get3A_538 = arith.index_cast %add3A_535 : i32 to index
        %get3A_539 = tpu.vector_load %arg9[%get3A_536, %get3A_537, %get3A_538] {strides = array<i32>} : memref<2x200x128xf32, #tpu.memory_space<vmem>>, vector<1x1x16xf32>,
        %get3A_540 = vector.shape_cast %get3A_539 : vector<1x1x16xf32> to vector<16xf32>
        %get3A_541 = arith.index_cast %add3A_513 : i32 to index
        %get3A_542 = arith.constant 16 : index
        %get3A_543 = tpu.vector_load %arg10[%get3A_541, %get3A_542] {strides = array<i32>} : memref<200x64xf32, #tpu.memory_space<vmem>>, vector<1x16xf32>,
        %get3A_544 = vector.shape_cast %get3A_543 : vector<1x16xf32> to vector<16xf32>
        %add3A_545 = arith.addf %get3A_540, %get3A_544 : vector<16xf32>
        %swap3A_546 = arith.index_cast %rem3A_57 : i32 to index
        %swap3A_547 = arith.index_cast %add3A_513 : i32 to index
        %swap3A_548 = arith.constant 16 : index
        %swap3A_549 = tpu.vector_load %arg9[%swap3A_546, %swap3A_547, %swap3A_548] {strides = array<i32>} : memref<2x200x128xf32, #tpu.memory_space<vmem>>, vector<1x1x16xf32>,
        %swap3A_550 = vector.shape_cast %swap3A_549 : vector<1x1x16xf32> to vector<16xf32>
        %swap3A_551 = vector.shape_cast %add3A_545 : vector<16xf32> to vector<1x1x16xf32>
        tpu.vector_store %arg9[%swap3A_546, %swap3A_547, %swap3A_548], %swap3A_551 {strides = array<i32>} : memref<2x200x128xf32, #tpu.memory_space<vmem>>, vector<1x1x16xf32>,
        %add3A_552 = arith.constant 32 : i32
        %add3A_553 = arith.addi %squeeze3A_515, %add3A_552 : i32
        %get3A_554 = arith.index_cast %rem3A_57 : i32 to index
        %get3A_555 = arith.index_cast %add3A_513 : i32 to index
        %get3A_556 = arith.index_cast %add3A_553 : i32 to index
        %get3A_557 = tpu.vector_load %arg9[%get3A_554, %get3A_555, %get3A_556] {strides = array<i32>} : memref<2x200x128xf32, #tpu.memory_space<vmem>>, vector<1x1x16xf32>,
        %get3A_558 = vector.shape_cast %get3A_557 : vector<1x1x16xf32> to vector<16xf32>
        %get3A_559 = arith.index_cast %add3A_513 : i32 to index
        %get3A_560 = arith.constant 32 : index
        %get3A_561 = tpu.vector_load %arg10[%get3A_559, %get3A_560] {strides = array<i32>} : memref<200x64xf32, #tpu.memory_space<vmem>>, vector<1x16xf32>,
        %get3A_562 = vector.shape_cast %get3A_561 : vector<1x16xf32> to vector<16xf32>
        %add3A_563 = arith.addf %get3A_558, %get3A_562 : vector<16xf32>
        %swap3A_564 = arith.index_cast %rem3A_57 : i32 to index
        %swap3A_565 = arith.index_cast %add3A_513 : i32 to index
        %swap3A_566 = arith.constant 32 : index
        %swap3A_567 = tpu.vector_load %arg9[%swap3A_564, %swap3A_565, %swap3A_566] {strides = array<i32>} : memref<2x200x128xf32, #tpu.memory_space<vmem>>, vector<1x1x16xf32>,
        %swap3A_568 = vector.shape_cast %swap3A_567 : vector<1x1x16xf32> to vector<16xf32>
        %swap3A_569 = vector.shape_cast %add3A_563 : vector<16xf32> to vector<1x1x16xf32>
        tpu.vector_store %arg9[%swap3A_564, %swap3A_565, %swap3A_566], %swap3A_569 {strides = array<i32>} : memref<2x200x128xf32, #tpu.memory_space<vmem>>, vector<1x1x16xf32>,
        %add3A_570 = arith.constant 48 : i32
        %add3A_571 = arith.addi %squeeze3A_515, %add3A_570 : i32
        %get3A_572 = arith.index_cast %rem3A_57 : i32 to index
        %get3A_573 = arith.index_cast %add3A_513 : i32 to index
        %get3A_574 = arith.index_cast %add3A_571 : i32 to index
        %get3A_575 = tpu.vector_load %arg9[%get3A_572, %get3A_573, %get3A_574] {strides = array<i32>} : memref<2x200x128xf32, #tpu.memory_space<vmem>>, vector<1x1x16xf32>,
        %get3A_576 = vector.shape_cast %get3A_575 : vector<1x1x16xf32> to vector<16xf32>
        %get3A_577 = arith.index_cast %add3A_513 : i32 to index
        %get3A_578 = arith.constant 48 : index
        %get3A_579 = tpu.vector_load %arg10[%get3A_577, %get3A_578] {strides = array<i32>} : memref<200x64xf32, #tpu.memory_space<vmem>>, vector<1x16xf32>,
        %get3A_580 = vector.shape_cast %get3A_579 : vector<1x16xf32> to vector<16xf32>
        %add3A_581 = arith.addf %get3A_576, %get3A_580 : vector<16xf32>
        %swap3A_582 = arith.index_cast %rem3A_57 : i32 to index
        %swap3A_583 = arith.index_cast %add3A_513 : i32 to index
        %swap3A_584 = arith.constant 48 : index
        %swap3A_585 = tpu.vector_load %arg9[%swap3A_582, %swap3A_583, %swap3A_584] {strides = array<i32>} : memref<2x200x128xf32, #tpu.memory_space<vmem>>, vector<1x1x16xf32>,
        %swap3A_586 = vector.shape_cast %swap3A_585 : vector<1x1x16xf32> to vector<16xf32>
        %swap3A_587 = vector.shape_cast %add3A_581 : vector<16xf32> to vector<1x1x16xf32>
        tpu.vector_store %arg9[%swap3A_582, %swap3A_583, %swap3A_584], %swap3A_587 {strides = array<i32>} : memref<2x200x128xf32, #tpu.memory_space<vmem>>, vector<1x1x16xf32>,
        %mul3A_588 = arith.constant 8 : i32
        %mul3A_589 = arith.muli %scan3A_117, %mul3A_588 : i32
        %add3A_590 = arith.constant 6 : i32
        %add3A_591 = arith.addi %mul3A_589, %add3A_590 : i32
        %slice3A_592 = vector.extract_strided_slice %get3A_122 {offsets = [6], sizes = [1], strides = [1]} : vector<16xi32> to vector<1xi32>
        %squeeze3A_593 = vector.extract %slice3A_592[0] : i32 from vector<1xi32>
        %add3A_594 = arith.constant 0 : i32
        %add3A_595 = arith.addi %squeeze3A_593, %add3A_594 : i32
        %get3A_596 = arith.index_cast %rem3A_57 : i32 to index
        %get3A_597 = arith.index_cast %add3A_591 : i32 to index
        %get3A_598 = arith.index_cast %add3A_595 : i32 to index
        %get3A_599 = tpu.vector_load %arg9[%get3A_596, %get3A_597, %get3A_598] {strides = array<i32>} : memref<2x200x128xf32, #tpu.memory_space<vmem>>, vector<1x1x16xf32>,
        %get3A_600 = vector.shape_cast %get3A_599 : vector<1x1x16xf32> to vector<16xf32>
        %get3A_601 = arith.index_cast %add3A_591 : i32 to index
        %get3A_602 = arith.constant 0 : index
        %get3A_603 = tpu.vector_load %arg10[%get3A_601, %get3A_602] {strides = array<i32>} : memref<200x64xf32, #tpu.memory_space<vmem>>, vector<1x16xf32>,
        %get3A_604 = vector.shape_cast %get3A_603 : vector<1x16xf32> to vector<16xf32>
        %add3A_605 = arith.addf %get3A_600, %get3A_604 : vector<16xf32>
        %swap3A_606 = arith.index_cast %rem3A_57 : i32 to index
        %swap3A_607 = arith.index_cast %add3A_591 : i32 to index
        %swap3A_608 = arith.constant 0 : index
        %swap3A_609 = tpu.vector_load %arg9[%swap3A_606, %swap3A_607, %swap3A_608] {strides = array<i32>} : memref<2x200x128xf32, #tpu.memory_space<vmem>>, vector<1x1x16xf32>,
        %swap3A_610 = vector.shape_cast %swap3A_609 : vector<1x1x16xf32> to vector<16xf32>
        %swap3A_611 = vector.shape_cast %add3A_605 : vector<16xf32> to vector<1x1x16xf32>
        tpu.vector_store %arg9[%swap3A_606, %swap3A_607, %swap3A_608], %swap3A_611 {strides = array<i32>} : memref<2x200x128xf32, #tpu.memory_space<vmem>>, vector<1x1x16xf32>,
        %add3A_612 = arith.constant 16 : i32
        %add3A_613 = arith.addi %squeeze3A_593, %add3A_612 : i32
        %get3A_614 = arith.index_cast %rem3A_57 : i32 to index
        %get3A_615 = arith.index_cast %add3A_591 : i32 to index
        %get3A_616 = arith.index_cast %add3A_613 : i32 to index
        %get3A_617 = tpu.vector_load %arg9[%get3A_614, %get3A_615, %get3A_616] {strides = array<i32>} : memref<2x200x128xf32, #tpu.memory_space<vmem>>, vector<1x1x16xf32>,
        %get3A_618 = vector.shape_cast %get3A_617 : vector<1x1x16xf32> to vector<16xf32>
        %get3A_619 = arith.index_cast %add3A_591 : i32 to index
        %get3A_620 = arith.constant 16 : index
        %get3A_621 = tpu.vector_load %arg10[%get3A_619, %get3A_620] {strides = array<i32>} : memref<200x64xf32, #tpu.memory_space<vmem>>, vector<1x16xf32>,
        %get3A_622 = vector.shape_cast %get3A_621 : vector<1x16xf32> to vector<16xf32>
        %add3A_623 = arith.addf %get3A_618, %get3A_622 : vector<16xf32>
        %swap3A_624 = arith.index_cast %rem3A_57 : i32 to index
        %swap3A_625 = arith.index_cast %add3A_591 : i32 to index
        %swap3A_626 = arith.constant 16 : index
        %swap3A_627 = tpu.vector_load %arg9[%swap3A_624, %swap3A_625, %swap3A_626] {strides = array<i32>} : memref<2x200x128xf32, #tpu.memory_space<vmem>>, vector<1x1x16xf32>,
        %swap3A_628 = vector.shape_cast %swap3A_627 : vector<1x1x16xf32> to vector<16xf32>
        %swap3A_629 = vector.shape_cast %add3A_623 : vector<16xf32> to vector<1x1x16xf32>
        tpu.vector_store %arg9[%swap3A_624, %swap3A_625, %swap3A_626], %swap3A_629 {strides = array<i32>} : memref<2x200x128xf32, #tpu.memory_space<vmem>>, vector<1x1x16xf32>,
        %add3A_630 = arith.constant 32 : i32
        %add3A_631 = arith.addi %squeeze3A_593, %add3A_630 : i32
        %get3A_632 = arith.index_cast %rem3A_57 : i32 to index
        %get3A_633 = arith.index_cast %add3A_591 : i32 to index
        %get3A_634 = arith.index_cast %add3A_631 : i32 to index
        %get3A_635 = tpu.vector_load %arg9[%get3A_632, %get3A_633, %get3A_634] {strides = array<i32>} : memref<2x200x128xf32, #tpu.memory_space<vmem>>, vector<1x1x16xf32>,
        %get3A_636 = vector.shape_cast %get3A_635 : vector<1x1x16xf32> to vector<16xf32>
        %get3A_637 = arith.index_cast %add3A_591 : i32 to index
        %get3A_638 = arith.constant 32 : index
        %get3A_639 = tpu.vector_load %arg10[%get3A_637, %get3A_638] {strides = array<i32>} : memref<200x64xf32, #tpu.memory_space<vmem>>, vector<1x16xf32>,
        %get3A_640 = vector.shape_cast %get3A_639 : vector<1x16xf32> to vector<16xf32>
        %add3A_641 = arith.addf %get3A_636, %get3A_640 : vector<16xf32>
        %swap3A_642 = arith.index_cast %rem3A_57 : i32 to index
        %swap3A_643 = arith.index_cast %add3A_591 : i32 to index
        %swap3A_644 = arith.constant 32 : index
        %swap3A_645 = tpu.vector_load %arg9[%swap3A_642, %swap3A_643, %swap3A_644] {strides = array<i32>} : memref<2x200x128xf32, #tpu.memory_space<vmem>>, vector<1x1x16xf32>,
        %swap3A_646 = vector.shape_cast %swap3A_645 : vector<1x1x16xf32> to vector<16xf32>
        %swap3A_647 = vector.shape_cast %add3A_641 : vector<16xf32> to vector<1x1x16xf32>
        tpu.vector_store %arg9[%swap3A_642, %swap3A_643, %swap3A_644], %swap3A_647 {strides = array<i32>} : memref<2x200x128xf32, #tpu.memory_space<vmem>>, vector<1x1x16xf32>,
        %add3A_648 = arith.constant 48 : i32
        %add3A_649 = arith.addi %squeeze3A_593, %add3A_648 : i32
        %get3A_650 = arith.index_cast %rem3A_57 : i32 to index
        %get3A_651 = arith.index_cast %add3A_591 : i32 to index
        %get3A_652 = arith.index_cast %add3A_649 : i32 to index
        %get3A_653 = tpu.vector_load %arg9[%get3A_650, %get3A_651, %get3A_652] {strides = array<i32>} : memref<2x200x128xf32, #tpu.memory_space<vmem>>, vector<1x1x16xf32>,
        %get3A_654 = vector.shape_cast %get3A_653 : vector<1x1x16xf32> to vector<16xf32>
        %get3A_655 = arith.index_cast %add3A_591 : i32 to index
        %get3A_656 = arith.constant 48 : index
        %get3A_657 = tpu.vector_load %arg10[%get3A_655, %get3A_656] {strides = array<i32>} : memref<200x64xf32, #tpu.memory_space<vmem>>, vector<1x16xf32>,
        %get3A_658 = vector.shape_cast %get3A_657 : vector<1x16xf32> to vector<16xf32>
        %add3A_659 = arith.addf %get3A_654, %get3A_658 : vector<16xf32>
        %swap3A_660 = arith.index_cast %rem3A_57 : i32 to index
        %swap3A_661 = arith.index_cast %add3A_591 : i32 to index
        %swap3A_662 = arith.constant 48 : index
        %swap3A_663 = tpu.vector_load %arg9[%swap3A_660, %swap3A_661, %swap3A_662] {strides = array<i32>} : memref<2x200x128xf32, #tpu.memory_space<vmem>>, vector<1x1x16xf32>,
        %swap3A_664 = vector.shape_cast %swap3A_663 : vector<1x1x16xf32> to vector<16xf32>
        %swap3A_665 = vector.shape_cast %add3A_659 : vector<16xf32> to vector<1x1x16xf32>
        tpu.vector_store %arg9[%swap3A_660, %swap3A_661, %swap3A_662], %swap3A_665 {strides = array<i32>} : memref<2x200x128xf32, #tpu.memory_space<vmem>>, vector<1x1x16xf32>,
        %mul3A_666 = arith.constant 8 : i32
        %mul3A_667 = arith.muli %scan3A_117, %mul3A_666 : i32
        %add3A_668 = arith.constant 7 : i32
        %add3A_669 = arith.addi %mul3A_667, %add3A_668 : i32
        %slice3A_670 = vector.extract_strided_slice %get3A_122 {offsets = [7], sizes = [1], strides = [1]} : vector<16xi32> to vector<1xi32>
        %squeeze3A_671 = vector.extract %slice3A_670[0] : i32 from vector<1xi32>
        %add3A_672 = arith.constant 0 : i32
        %add3A_673 = arith.addi %squeeze3A_671, %add3A_672 : i32
        %get3A_674 = arith.index_cast %rem3A_57 : i32 to index
        %get3A_675 = arith.index_cast %add3A_669 : i32 to index
        %get3A_676 = arith.index_cast %add3A_673 : i32 to index
        %get3A_677 = tpu.vector_load %arg9[%get3A_674, %get3A_675, %get3A_676] {strides = array<i32>} : memref<2x200x128xf32, #tpu.memory_space<vmem>>, vector<1x1x16xf32>,
        %get3A_678 = vector.shape_cast %get3A_677 : vector<1x1x16xf32> to vector<16xf32>
        %get3A_679 = arith.index_cast %add3A_669 : i32 to index
        %get3A_680 = arith.constant 0 : index
        %get3A_681 = tpu.vector_load %arg10[%get3A_679, %get3A_680] {strides = array<i32>} : memref<200x64xf32, #tpu.memory_space<vmem>>, vector<1x16xf32>,
        %get3A_682 = vector.shape_cast %get3A_681 : vector<1x16xf32> to vector<16xf32>
        %add3A_683 = arith.addf %get3A_678, %get3A_682 : vector<16xf32>
        %swap3A_684 = arith.index_cast %rem3A_57 : i32 to index
        %swap3A_685 = arith.index_cast %add3A_669 : i32 to index
        %swap3A_686 = arith.constant 0 : index
        %swap3A_687 = tpu.vector_load %arg9[%swap3A_684, %swap3A_685, %swap3A_686] {strides = array<i32>} : memref<2x200x128xf32, #tpu.memory_space<vmem>>, vector<1x1x16xf32>,
        %swap3A_688 = vector.shape_cast %swap3A_687 : vector<1x1x16xf32> to vector<16xf32>
        %swap3A_689 = vector.shape_cast %add3A_683 : vector<16xf32> to vector<1x1x16xf32>
        tpu.vector_store %arg9[%swap3A_684, %swap3A_685, %swap3A_686], %swap3A_689 {strides = array<i32>} : memref<2x200x128xf32, #tpu.memory_space<vmem>>, vector<1x1x16xf32>,
        %add3A_690 = arith.constant 16 : i32
        %add3A_691 = arith.addi %squeeze3A_671, %add3A_690 : i32
        %get3A_692 = arith.index_cast %rem3A_57 : i32 to index
        %get3A_693 = arith.index_cast %add3A_669 : i32 to index
        %get3A_694 = arith.index_cast %add3A_691 : i32 to index
        %get3A_695 = tpu.vector_load %arg9[%get3A_692, %get3A_693, %get3A_694] {strides = array<i32>} : memref<2x200x128xf32, #tpu.memory_space<vmem>>, vector<1x1x16xf32>,
        %get3A_696 = vector.shape_cast %get3A_695 : vector<1x1x16xf32> to vector<16xf32>
        %get3A_697 = arith.index_cast %add3A_669 : i32 to index
        %get3A_698 = arith.constant 16 : index
        %get3A_699 = tpu.vector_load %arg10[%get3A_697, %get3A_698] {strides = array<i32>} : memref<200x64xf32, #tpu.memory_space<vmem>>, vector<1x16xf32>,
        %get3A_700 = vector.shape_cast %get3A_699 : vector<1x16xf32> to vector<16xf32>
        %add3A_701 = arith.addf %get3A_696, %get3A_700 : vector<16xf32>
        %swap3A_702 = arith.index_cast %rem3A_57 : i32 to index
        %swap3A_703 = arith.index_cast %add3A_669 : i32 to index
        %swap3A_704 = arith.constant 16 : index
        %swap3A_705 = tpu.vector_load %arg9[%swap3A_702, %swap3A_703, %swap3A_704] {strides = array<i32>} : memref<2x200x128xf32, #tpu.memory_space<vmem>>, vector<1x1x16xf32>,
        %swap3A_706 = vector.shape_cast %swap3A_705 : vector<1x1x16xf32> to vector<16xf32>
        %swap3A_707 = vector.shape_cast %add3A_701 : vector<16xf32> to vector<1x1x16xf32>
        tpu.vector_store %arg9[%swap3A_702, %swap3A_703, %swap3A_704], %swap3A_707 {strides = array<i32>} : memref<2x200x128xf32, #tpu.memory_space<vmem>>, vector<1x1x16xf32>,
        %add3A_708 = arith.constant 32 : i32
        %add3A_709 = arith.addi %squeeze3A_671, %add3A_708 : i32
        %get3A_710 = arith.index_cast %rem3A_57 : i32 to index
        %get3A_711 = arith.index_cast %add3A_669 : i32 to index
        %get3A_712 = arith.index_cast %add3A_709 : i32 to index
        %get3A_713 = tpu.vector_load %arg9[%get3A_710, %get3A_711, %get3A_712] {strides = array<i32>} : memref<2x200x128xf32, #tpu.memory_space<vmem>>, vector<1x1x16xf32>,
        %get3A_714 = vector.shape_cast %get3A_713 : vector<1x1x16xf32> to vector<16xf32>
        %get3A_715 = arith.index_cast %add3A_669 : i32 to index
        %get3A_716 = arith.constant 32 : index
        %get3A_717 = tpu.vector_load %arg10[%get3A_715, %get3A_716] {strides = array<i32>} : memref<200x64xf32, #tpu.memory_space<vmem>>, vector<1x16xf32>,
        %get3A_718 = vector.shape_cast %get3A_717 : vector<1x16xf32> to vector<16xf32>
        %add3A_719 = arith.addf %get3A_714, %get3A_718 : vector<16xf32>
        %swap3A_720 = arith.index_cast %rem3A_57 : i32 to index
        %swap3A_721 = arith.index_cast %add3A_669 : i32 to index
        %swap3A_722 = arith.constant 32 : index
        %swap3A_723 = tpu.vector_load %arg9[%swap3A_720, %swap3A_721, %swap3A_722] {strides = array<i32>} : memref<2x200x128xf32, #tpu.memory_space<vmem>>, vector<1x1x16xf32>,
        %swap3A_724 = vector.shape_cast %swap3A_723 : vector<1x1x16xf32> to vector<16xf32>
        %swap3A_725 = vector.shape_cast %add3A_719 : vector<16xf32> to vector<1x1x16xf32>
        tpu.vector_store %arg9[%swap3A_720, %swap3A_721, %swap3A_722], %swap3A_725 {strides = array<i32>} : memref<2x200x128xf32, #tpu.memory_space<vmem>>, vector<1x1x16xf32>,
        %add3A_726 = arith.constant 48 : i32
        %add3A_727 = arith.addi %squeeze3A_671, %add3A_726 : i32
        %get3A_728 = arith.index_cast %rem3A_57 : i32 to index
        %get3A_729 = arith.index_cast %add3A_669 : i32 to index
        %get3A_730 = arith.index_cast %add3A_727 : i32 to index
        %get3A_731 = tpu.vector_load %arg9[%get3A_728, %get3A_729, %get3A_730] {strides = array<i32>} : memref<2x200x128xf32, #tpu.memory_space<vmem>>, vector<1x1x16xf32>,
        %get3A_732 = vector.shape_cast %get3A_731 : vector<1x1x16xf32> to vector<16xf32>
        %get3A_733 = arith.index_cast %add3A_669 : i32 to index
        %get3A_734 = arith.constant 48 : index
        %get3A_735 = tpu.vector_load %arg10[%get3A_733, %get3A_734] {strides = array<i32>} : memref<200x64xf32, #tpu.memory_space<vmem>>, vector<1x16xf32>,
        %get3A_736 = vector.shape_cast %get3A_735 : vector<1x16xf32> to vector<16xf32>
        %add3A_737 = arith.addf %get3A_732, %get3A_736 : vector<16xf32>
        %swap3A_738 = arith.index_cast %rem3A_57 : i32 to index
        %swap3A_739 = arith.index_cast %add3A_669 : i32 to index
        %swap3A_740 = arith.constant 48 : index
        %swap3A_741 = tpu.vector_load %arg9[%swap3A_738, %swap3A_739, %swap3A_740] {strides = array<i32>} : memref<2x200x128xf32, #tpu.memory_space<vmem>>, vector<1x1x16xf32>,
        %swap3A_742 = vector.shape_cast %swap3A_741 : vector<1x1x16xf32> to vector<16xf32>
        %swap3A_743 = vector.shape_cast %add3A_737 : vector<16xf32> to vector<1x1x16xf32>
        tpu.vector_store %arg9[%swap3A_738, %swap3A_739, %swap3A_740], %swap3A_743 {strides = array<i32>} : memref<2x200x128xf32, #tpu.memory_space<vmem>>, vector<1x1x16xf32>,
      }
      %scan3A_99 = arith.constant 25 : i32
      %add3A_100 = arith.addi %mul3A_2, %scan3A_56 : i32
      %dma_start3A_101 = arith.constant 0 : i32
      %dma_start3A_102 = arith.constant 0 : i32
      %dma_start3A_103 = tpu.memref_slice %arg9[%rem3A_57, %dma_start3A_101, %dma_start3A_102] : memref<2x200x128xf32, #tpu.memory_space<vmem>> -> memref<1x200x128xf32, #tpu.memory_space<vmem>>
      %dma_start3A_104 = tpu.memref_squeeze %dma_start3A_103 : memref<1x200x128xf32, #tpu.memory_space<vmem>> -> memref<200x128xf32, #tpu.memory_space<vmem>>
      %dma_start3A_105 = arith.constant 0 : i32
      %dma_start3A_106 = arith.constant 0 : i32
      %dma_start3A_107 = tpu.memref_slice %arg6[%add3A_100, %dma_start3A_105, %dma_start3A_106] : memref<1024x200x128xf32, #tpu.memory_space<hbm>> -> memref<1x200x128xf32, #tpu.memory_space<hbm>>
      %dma_start3A_108 = tpu.memref_squeeze %dma_start3A_107 : memref<1x200x128xf32, #tpu.memory_space<hbm>> -> memref<200x128xf32, #tpu.memory_space<hbm>>
      %dma_start3A_109 = arith.constant 0 : i32
      %dma_start3A_110 = arith.constant 0 : i32
      %dma_start3A_111 = tpu.memref_slice %arg6[%add3A_100, %dma_start3A_109, %dma_start3A_110] : memref<1024x200x128xf32, #tpu.memory_space<hbm>> -> memref<1x200x128xf32, #tpu.memory_space<hbm>>
      %dma_start3A_112 = tpu.memref_squeeze %dma_start3A_111 : memref<1x200x128xf32, #tpu.memory_space<hbm>> -> memref<200x128xf32, #tpu.memory_space<hbm>>
      %dma_start3A_113 = arith.constant 0 : i32
      %dma_start3A_114 = arith.constant 0 : i32
      %dma_start3A_115 = tpu.memref_slice %arg9[%rem3A_57, %dma_start3A_113, %dma_start3A_114] : memref<2x200x128xf32, #tpu.memory_space<vmem>> -> memref<1x200x128xf32, #tpu.memory_space<vmem>>
      %dma_start3A_116 = tpu.memref_squeeze %dma_start3A_115 : memref<1x200x128xf32, #tpu.memory_space<vmem>> -> memref<200x128xf32, #tpu.memory_space<vmem>>
      tpu.enqueue_dma source(%dma_start3A_116 : memref<200x128xf32, #tpu.memory_space<vmem>>) target(%dma_start3A_112 : memref<200x128xf32, #tpu.memory_space<hbm>>) target_semaphore(%arg12 : memref<!tpu.dma_semaphore, #tpu.memory_space<semaphore_mem>>)
    }
    %scan3A_36 = arith.constant 32 : i32
    %add3A_37 = arith.constant 32 : i32
    %add3A_38 = arith.addi %mul3A_2, %add3A_37 : i32
    %sub3A = arith.constant 1 : i32
    %sub3A_39 = arith.subi %add3A_38, %sub3A : i32
    %dma_wait3A = arith.constant 1 : i32
    %dma_wait3A_40 = arith.constant 0 : i32
    %dma_wait3A_41 = arith.constant 0 : i32
    %dma_wait3A_42 = tpu.memref_slice %arg9[%dma_wait3A, %dma_wait3A_40, %dma_wait3A_41] : memref<2x200x128xf32, #tpu.memory_space<vmem>> -> memref<1x200x128xf32, #tpu.memory_space<vmem>>
    %dma_wait3A_43 = tpu.memref_squeeze %dma_wait3A_42 : memref<1x200x128xf32, #tpu.memory_space<vmem>> -> memref<200x128xf32, #tpu.memory_space<vmem>>
    %dma_wait3A_44 = arith.constant 0 : i32
    %dma_wait3A_45 = arith.constant 0 : i32
    %dma_wait3A_46 = tpu.memref_slice %arg6[%sub3A_39, %dma_wait3A_44, %dma_wait3A_45] : memref<1024x200x128xf32, #tpu.memory_space<hbm>> -> memref<1x200x128xf32, #tpu.memory_space<hbm>>
    %dma_wait3A_47 = tpu.memref_squeeze %dma_wait3A_46 : memref<1x200x128xf32, #tpu.memory_space<hbm>> -> memref<200x128xf32, #tpu.memory_space<hbm>>
    %dma_wait3A_48 = arith.constant 0 : i32
    %dma_wait3A_49 = arith.constant 0 : i32
    %dma_wait3A_50 = tpu.memref_slice %arg6[%sub3A_39, %dma_wait3A_48, %dma_wait3A_49] : memref<1024x200x128xf32, #tpu.memory_space<hbm>> -> memref<1x200x128xf32, #tpu.memory_space<hbm>>
    %dma_wait3A_51 = tpu.memref_squeeze %dma_wait3A_50 : memref<1x200x128xf32, #tpu.memory_space<hbm>> -> memref<200x128xf32, #tpu.memory_space<hbm>>
    %dma_wait3A_52 = arith.constant 0 : i32
    %dma_wait3A_53 = arith.constant 0 : i32
    %dma_wait3A_54 = tpu.memref_slice %arg9[%dma_wait3A, %dma_wait3A_52, %dma_wait3A_53] : memref<2x200x128xf32, #tpu.memory_space<vmem>> -> memref<1x200x128xf32, #tpu.memory_space<vmem>>
    %dma_wait3A_55 = tpu.memref_squeeze %dma_wait3A_54 : memref<1x200x128xf32, #tpu.memory_space<vmem>> -> memref<200x128xf32, #tpu.memory_space<vmem>>
    tpu.wait_dma2 semaphore(%arg12 : memref<!tpu.dma_semaphore, #tpu.memory_space<semaphore_mem>>) src(%dma_wait3A_55 : memref<200x128xf32, #tpu.memory_space<vmem>>) dst(%dma_wait3A_51 : memref<200x128xf32, #tpu.memory_space<hbm>>)
    return
  }
}

</mosaic_0001>

<sc_bundles>
// kernel: kernel.3.cloned.1.call-start
scs
__scs_entry_jumppad:
0x0: {  	(pc) =	sbr.rel $0x88, $3  }
0x1: {  	(tag) =	ssettag $0x0;
	lr =	simm.s32 $0x1  }
0x2: {  	[smem:$0x3F9E] =	sst lr;
	_ =	strace $0xD0000000  }
0x3: {  	_ = 	snop  }
0x4: {  	_ = 	snop  }
0x5: {  	_ = 	snop  }
0x6: {  	_ = 	snop  }
0x7: {  	_ = 	snop  }
__scs_overlays_trampoline_lowered:
0x8: {  	[smem:$0x3FAD] =	sst s0  }
0x9: {  	[smem:$0x3FAE] =	sst s1  }
0xa: {  	[smem:$0x3FAF] =	sst s2  }
0xb: {  	[smem:$0x3FB0] =	sst s3  }
0xc: {  	[smem:$0x3FB1] =	sst s4  }
0xd: {  	[smem:$0x3FB2] =	sst s5  }
0xe: {  	[smem:$0x3FB3] =	sst s6  }
0xf: {  	[smem:$0x3FB4] =	sst s7  }
0x10: {  	[smem:$0x3FB5] =	sst s8  }
0x11: {  	[smem:$0x3FB6] =	sst s9;
	s0 =	simm.s32 @!p0 $0x0  }
0x12: {  	s1 =	sld [smem:$0x3F9C];
	s0 =	simm.s32 @p0 $0x1  }
0x13: {  	[smem:$0x3FB7] =	sst s0;
	s0 =	simm.s32 @!p1 $0x0  }
0x14: {  	s2 =	sld [smem:$0x3F9B];
	s0 =	simm.s32 @p1 $0x1  }
0x15: {  	[smem:$0x3FB8] =	sst s0;
	s0 =	simm.s32 @!p2 $0x0  }
0x16: {  	s3 =	sld [smem:$0x3FDB];
	s0 =	simm.s32 @p2 $0x1  }
0x17: {  	s4 =	simm.s32 $0x1BF5;
	[smem:$0x3FBA] =	sst s0  }
0x18: {  	s0 =	sld [smem:$0x3F9D];
	_ =	swait.ge [sflag:s4], $0x0  }
0x19: {  	s7 =	sld [smem:$0x3F9E]  }
0x1a: {  	s8 =	sadd.s32 $0xFFFFE003, lr  }
0x1b: {  	s9 =	sadd.s32 $0xFFFFFEF7, lr;
	s5 =	simm.s32 $0xFFFFFFFF;
	p2 =	slt.u32 s8, $0xFFFFF086  }
0x1c: {  	p1 =	slt.u32 s9, $0xF7A;
	s5 =	simm.s32 @!p2 $0x0  }
0x1d: {  	s5 =	simm.s32 @p1 $0x1;
	p0 =	seq.s32 s7, s2  }
0x1e: {  	s7 =	smul.u32 @!p0 $0xF7A, s2;
	p2 =	seq.s32 @!p0 s5, $0x0  }
0x1f: {  	s9 =	smul.u32 $0xF7A, s1;
	s8 =	simm.s32 @!p0 $0x1BF5;
	p2 =	por !p2, p0  }
0x20: {  	[sflag:s8] =	ssyncset.s32 @!p0 $0xFFFFF086;
	s6 =	sadd.s32 @!p0 s3, s7;
	s7 =	simm.s32 @!p0 $0x108  }
0x21: {  	s3 =	sadd.s32 s3, s9;
	s6 =	sadd.s32 @!p0 $0x88, s6;
	s7 =	simm.s32 @p2 $0x1082  }
0x22: {  	[simem:s7], [sflag:s8] =	dma.local @!p0 [hbm:s6], $0xF7A  }
0x23: {  	s9 =	sor.u32 $0xD0000000, s2;
	s6 =	simm.s32 $0x108;
	_ =	swait.ge @!p0 [sflag:s8], $0x0  }
0x24: {  	s3 =	sadd.s32 $0x88, s3;
	s6 =	simm.s32 @!p1 $0x1082;
	[sflag:s4] =	ssyncset.s32 $0xFFFFF086  }
0x25: {  	[simem:s6], [sflag:s4] =	dma.local [hbm:s3], $0xF7A  }
0x26: {  	[smem:$0x3F9E] =	sst s1;
	(tag) =	ssettag s2;
	_ =	strace s9  }
0x27: {  	s1 =	sld [smem:$0x3FAE]  }
0x28: {  	s2 =	sld [smem:$0x3FAF]  }
0x29: {  	s4 =	sld [smem:$0x3FB1]  }
0x2a: {  	p0 =	seq.s32 s5, $0x0;
	s5 =	sld [smem:$0x3FB2]  }
0x2b: {  	s6 =	sld [smem:$0x3FB3]  }
0x2c: {  	s7 =	sld [smem:$0x3FB4]  }
0x2d: {  	s3 =	simm.s32 $0x108;
	s8 =	sld [smem:$0x3FB5]  }
0x2e: {  	s3 =	simm.s32 @!p0 $0x1082;
	s9 =	sld [smem:$0x3FB6]  }
0x2f: {  	lr =	sadd.s32 s0, s3;
	s0 =	sld [smem:$0x3FAD]  }
0x30: {  	s3 =	sld [smem:$0x3FB0]  }
0x31: {  	[smem:$0x3FB9] =	sst s10  }
0x32: {  	s10 =	sld [smem:$0x3FB7];
	_ =	sdelay $0x3  }
0x33: {  	p0 =	seq.s32 s10, $0x1;
	s10 =	sld [smem:$0x3FB9];
	_ =	sdelay $0x3  }
0x34: {  	[smem:$0x3FB9] =	sst s10  }
0x35: {  	s10 =	sld [smem:$0x3FB8];
	_ =	sdelay $0x3  }
0x36: {  	p1 =	seq.s32 s10, $0x1;
	s10 =	sld [smem:$0x3FB9];
	_ =	sdelay $0x3  }
0x37: {  	[smem:$0x3FB9] =	sst s10  }
0x38: {  	s10 =	sld [smem:$0x3FBA]  }
0x39: {  	_ = 	snop;
	(pc) =	sbr.ind lr, $3  }
0x3a: {  	_ = 	snop  }
0x3b: {  	_ = 	snop  }
0x3c: {  	p2 =	seq.s32 s10, $0x1;
	s10 =	sld [smem:$0x3FB9]  }
0x3d: {  	_ =	shalt  }
0x3e: {  	_ =	shalt  }
0x3f: {  	_ =	shalt  }
0x40: {  	_ =	shalt  }
0x41: {  	_ =	shalt  }
0x42: {  	_ =	shalt  }
0x43: {  	_ =	shalt  }
0x44: {  	_ =	shalt  }
0x45: {  	_ =	shalt  }
0x46: {  	_ =	shalt  }
0x47: {  	_ =	shalt  }
0x48: {  	_ =	shalt  }
0x49: {  	_ =	shalt  }
0x4a: {  	_ =	shalt  }
0x4b: {  	_ =	shalt  }
0x4c: {  	_ =	shalt  }
0x4d: {  	_ =	shalt  }
0x4e: {  	_ =	shalt  }
0x4f: {  	_ =	shalt  }
0x50: {  	_ =	shalt  }
0x51: {  	_ =	shalt  }
0x52: {  	_ =	shalt  }
0x53: {  	_ =	shalt  }
0x54: {  	_ =	shalt  }
0x55: {  	_ =	shalt  }
0x56: {  	_ =	shalt  }
0x57: {  	_ =	shalt  }
0x58: {  	_ =	shalt  }
0x59: {  	_ =	shalt  }
0x5a: {  	_ =	shalt  }
0x5b: {  	_ =	shalt  }
0x5c: {  	_ =	shalt  }
0x5d: {  	_ =	shalt  }
0x5e: {  	_ =	shalt  }
0x5f: {  	_ =	shalt  }
0x60: {  	_ =	shalt  }
0x61: {  	_ =	shalt  }
0x62: {  	_ =	shalt  }
0x63: {  	_ =	shalt  }
0x64: {  	_ =	shalt  }
0x65: {  	_ =	shalt  }
0x66: {  	_ =	shalt  }
0x67: {  	_ =	shalt  }
0x68: {  	_ =	shalt  }
0x69: {  	_ =	shalt  }
0x6a: {  	_ =	shalt  }
0x6b: {  	_ =	shalt  }
0x6c: {  	_ =	shalt  }
0x6d: {  	_ =	shalt  }
0x6e: {  	_ =	shalt  }
0x6f: {  	_ =	shalt  }
0x70: {  	_ =	shalt  }
0x71: {  	_ =	shalt  }
0x72: {  	_ =	shalt  }
0x73: {  	_ =	shalt  }
0x74: {  	_ =	shalt  }
0x75: {  	_ =	shalt  }
0x76: {  	_ =	shalt  }
0x77: {  	_ =	shalt  }
0x78: {  	_ =	shalt  }
0x79: {  	_ =	shalt  }
0x7a: {  	_ =	shalt  }
0x7b: {  	_ =	shalt  }
0x7c: {  	_ =	shalt  }
0x7d: {  	_ =	shalt  }
0x7e: {  	_ =	shalt  }
0x7f: {  	_ =	shalt  }
0x80: {  	_ =	shalt  }
0x81: {  	_ =	shalt  }
0x82: {  	_ =	shalt  }
0x83: {  	_ =	shalt  }
0x84: {  	_ =	shalt  }
0x85: {  	_ =	shalt  }
0x86: {  	_ =	shalt  }
0x87: {  	_ =	shalt  }
.Lfunc_end0:
.L_simem_size_0:
called_computation.1_lowered:
.L_overlay_start_0:
0x88: {  	s2 =	sld [smem:$0x3FD9]  }
0x89: {  	s3 =	sld [smem:$0x3FFE];
	_ =	sdelay $0x1  }
0x8a: {  	s1 =	srdreg.scid  }
0x8b: {  	s0 =	sand.u32 $0x1, s1  }
0x8c: {  	s17 =	sshll.u32 s0, $0xA;
	s2 =	sadd.s32 s3, s2  }
0x8d: {  	s2 =	sadd.s32 s2, s17  }
0x8e: {  	[smem:$0x3FC5] =	sst s2  }
0x8f: {  	_ = 	snop  }
0x90: {  	s2 =	sld [smem:$0x3FD0];
	(tm) =	ssettm $0x1  }
0x91: {  	s18 =	sld [smem:$0x3FFB];
	_ =	sdelay $0x3  }
0x92: {  	_ =	strace s18  }
0x93: {  	s3 =	sld [smem:$0x3FFC];
	_ =	sdelay $0x3  }
0x94: {  	_ =	strace s3  }
0x95: {  	s3 =	sld [smem:$0x3FFD];
	_ =	sdelay $0x3  }
0x96: {  	_ =	strace s3  }
0x97: {  	_ =	strace $0x8FFFFFFF  }
0x98: {  	s19 =	sld [smem:$0x3FDB];
	_ =	sdelay $0x1  }
0x99: {  	s4 =	simm.s32 $_scs_section_size  }
0x9a: {  	s5 =	simm.s32 $_size__tile_overlayer_lowered;
	s6 =	simm.s32 $_tile_overlayer_lowered  }
0x9b: {  	s22 =	simm.s32 $0x1BFF;
	s21 =	sshll.u32 s6, $0x1;
	s3 =	sadd.s32 s4, s19  }
0x9c: {  	s7 =	simm.s32 $0x0;
	s20 =	sshll.u32 s5, $0x1;
	s5 =	sadd.s32 s21, s3  }
0x9d: {  	[timem:s7], [sflag:s22] =	dma.local [hbm:s5], s20  }
0x9e: {  	_ =	swait.ge [sflag:s22], s20  }
0x9f: {  	s4 =	ssub.s32 $0x0, s20;
	[sflag:s22] =	ssyncset.done $0x0  }
0xa0: {  	[sflag:s22] =	ssyncadd.s32 s4;
	_ =	sdelay $0x1  }
0xa1: {  	s23 =	simm.s32 $0x1B8B  }
0xa2: {  	_ =	swait.ge [sflag:s23], $0x1  }
0xa3: {  	[sflag:s23] =	ssyncset.done $0x0  }
0xa4: {  	s25 =	simm.s32 $0x1B8E;
	s24 =	sld [smem:$0x3FFE];
	[sflag:s23] =	ssyncadd.s32 $0xFFFFFFFF  }
0xa5: {  	s26 =	simm.s32 $execute0_lowered;
	[smem:$0x3FD2] =	sst s25  }
0xa6: {  	s5 =	sshll.u32 s26, $0x1;
	_ =	strace $0x80000046;
	[dreg:$0x1] =	wrdreg $0xFFFFFFFF  }
0xa7: {  	s28 =	simm.s32 $_size_execute0_lowered;
	s3 =	sadd.s32 s3, s5;
	[dreg:$0x0] =	wrdreg $0x0  }
0xa8: {  	s5 =	sshll.u32 s28, $0x1;
	[dreg:$0x2] =	wrdreg s3  }
0xa9: {  	[dreg:$0x3] =	wrdreg s5  }
0xaa: {  	[dreg:$0x4] =	wrdreg $0xC0  }
0xab: {  	_ =	task [dreg:s7], $0x5FFFF  }
0xac: {  	[dreg:$0x1] =	wrdreg $0xFFFFFFFF  }
0xad: {  	[dreg:$0x0] =	wrdreg $0x60  }
0xae: {  	[dreg:$0x2] =	wrdreg s2  }
0xaf: {  	[dreg:$0x3] =	wrdreg s24  }
0xb0: {  	[dreg:$0x4] =	wrdreg $0x9  }
0xb1: {  	_ =	task.clear_ibuf [dreg:s7], $0x5FFFF;
	_ =	strace $0x90000046  }
0xb2: {  	s29 =	simm.s32 $0x9;
	_ =	strace $0x80000048  }
0xb3: {  	_ =	swait.ge [sflag:s29], $0x1  }
0xb4: {  	[sflag:s29] =	ssyncadd.s32 $0xFFFFFFFF  }
0xb5: {  	_ =	strace $0x90000048  }
0xb6: {  	_ =	sfence  }
0xb7: {  	s30 =	sld [smem:$0x0];
	_ =	sdelay $0x2  }
0xb8: {  	s31 =	sshll.u32 s1, $0xD;
	s1 =	sshrl.u32 s1, $0x2  }
0xb9: {  	s3 =	sand.u32 $0x4000, s31;
	s1 =	sadd.s32 s1, s30  }
0xba: {  	s0 =	sor.u32 s3, s0;
	s1 =	sshll.u32 s1, $0x11  }
0xbb: {  	s0 =	sor.u32 s1, s0  }
0xbc: {  	s0 =	sadd.s32 $0x8F2B, s0  }
0xbd: {  	[sflag:s0] =	ssyncadd.remote.s32 $0x1  }
0xbe: {  	_ =	sfence.sel $0xFFFF  }
0xbf: {  	[dreg:$0x0] =	wrdreg $0xFFFFFFFF;
	(pc) =	sbr.abs _section_cstart, $3  }
0xc0: {  	[dreg:$0x1] =	wrdreg $0xFFFFFFFF  }
0xc1: {  	_ =	task.clear_ibuf [dreg:s7], $0x2FFFF;
	_ =	strace $0x9FFFFFFF  }
0xc2: {  	(tm) =	ssettm $0x7FFFFFFF  }
0xc3: {  	_ =	shalt  }
tec
execute0_lowered:
.L_overlay_start_1:
0x0: {  	(tag) =	ssettag $0x1  }
0x1: {  	s0 =	rddreg [dreg:$0x0]  }
0x2: {  	s1 =	srdreg.scid;
	s3 =	stileid.u32  }
0x3: {  	s2 =	rddreg [dreg:$0x1];
	s5 =	simm.s32 $0x0;
	s1 =	sand.u32 $0x1, s1  }
0x4: {  	s3 =	sshll.u32 s3, $0x1;
	[smem:$0x7FF] =	sst s5;
	s25 =	sadd.s32 $0xF49400, s2  }
0x5: {  	s26 =	sadd.s32 $0x7000, s2;
	s4 =	sor.u32 s1, s3;
	_ =	strace $0x80000047  }
0x6: {  	[dreg:$0x3] =	wrdreg s25;
	s1 =	ssub.s32 $0x2, s1;
	s24 =	smul.u32 $0x320, s4  }
0x7: {  	[dreg:$0x4] =	wrdreg s26;
	s28 =	sshrl.u32 s1, $0x1;
	s29 =	sshll.u32 s4, $0x5  }
0x8: {  	[dreg:$0x6] =	wrdreg s29;
	s7 =	sadd.s32 s24, s2;
	s2 =	sadd.s32 $0x7E00, s2  }
0x9: {  	s1 =	ssub.s32 s1, s28;
	s0 =	sadd.s32 s0, s24;
	[dreg:$0x5] =	wrdreg s2  }
0xa: {  	s31 =	smax.u32 s1, $0x1;
	[dreg:$0x7] =	wrdreg s0  }
0xb: {  	s30 =	sadd.s32 $0xC00, s7;
	[dreg:$0x9] =	wrdreg s31  }
0xc: {  	s2 =	simm.s32 $0x0;
	[dreg:$0x8] =	wrdreg s30  }
.LBB2_1:
0xd: {  	[dreg:$0xa] =	wrdreg s2;
	s0 =	simm.s32 $0x0  }
0xe: {  	s1 =	rddreg [dreg:$0x4];
	s22 =	simm.s32 $0xFA80;
	s23 =	simm.s32 $0x3  }
0xf: {  	[tilespmem:s22], [sflag:$0x3] =	stream.linear.gather [hbm4b:s1+s0], $0x6400, $0x38;
	[tilespmem:$0x15E80] =	vst v63  }
0x10: {  	_ =	swait.ge [sflag:s23], $0x6400  }
0x11: {  	[sflag:s23] =	ssyncset.done $0x0  }
0x12: {  	s24 =	rddreg [dreg:$0x7];
	[sflag:s23] =	ssyncadd.s32 $0xFFFF9C00  }
0x13: {  	[tilespmem:s0], [sflag:$0x3] =	stream.linear.gather [hbm4b:s24+s0], $0x1900, $0x38;
	[tilespmem:$0x15E80] =	vst v63  }
0x14: {  	_ =	swait.ge [sflag:s23], $0x1900  }
0x15: {  	[sflag:s23] =	ssyncset.done $0x0  }
0x16: {  	s3 =	simm.s32 $0x1900;
	s25 =	rddreg [dreg:$0x8];
	[sflag:s23] =	ssyncadd.s32 $0xFFFFE700  }
0x17: {  	[tilespmem:s3], [sflag:$0x3] =	stream.linear.gather [hbm4b:s25+s0], $0x1900, $0x38;
	[tilespmem:$0x15E80] =	vst v63  }
0x18: {  	_ =	swait.ge [sflag:s23], $0x1900  }
0x19: {  	s28 =	simm.s32 $0x80;
	[sflag:s23] =	ssyncset.done $0x0  }
0x1a: {  	s29 =	simm.s32 $0x3280;
	s26 =	rddreg [dreg:$0x3];
	[sflag:s23] =	ssyncadd.s32 $0xFFFFE700  }
0x1b: {  	[tilespmem:s29], [sflag:$0x1] =	stream.indirect.gather [hbm4b:s26+s28], $0x80, s0, s28, $0xb8;
	[tilespmem:$0x15E80] =	vst v63  }
0x1c: {  	s30 =	simm.s32 $0x48;
	s31 =	simm.s32 $0x7280;
	s20 =	simm.s32 $0x0  }
0x1d: {  	[tilespmem:s31], [sflag:$0x1] =	stream.indirect.gather [hbm4b:s26+s30], $0x80, s28, s30, $0xb8;
	[tilespmem:$0x15E80] =	vst v63  }
.LBB2_2:
0x1e: {  	s0 =	simm.s32 $0x1  }
0x1f: {  	_ =	swait.ge [sflag:s0], $0x4000  }
0x20: {  	p0 =	seq.s32 s20, $0x0;
	[sflag:s0] =	ssyncset.done $0x0  }
0x21: {  	p1 =	seq.s32 @!p0 s20, $0x1F;
	[sflag:s0] =	ssyncadd.s32 $0xFFFFC000  }
0x22: {  	p1 =	por p0, !p1;
	_ =	swait.ge [sflag:s0], $0x2400  }
.Ltmp0:
0x23: {  	[sflag:s0] =	ssyncset.done $0x0;
	(pc) =	sbr.rel @!p1 .LBB2_4-.Ltmp0, $4  }
0x24: {  	s1 =	simm.s32 @!p0 $0x2;
	[sflag:s0] =	ssyncadd.s32 $0xFFFFDC00  }
0x25: {  	_ =	swait.ge @!p0 [sflag:s1], $0x6400  }
0x26: {  	[sflag:s1] =	ssyncset.done @!p0 $0x0  }
0x27: {  	s6 =	simm.s32 @!p0 $0x20;
	s0 =	sand.u32 $0x1, s20;
	[sflag:s1] =	ssyncadd.s32 @!p0 $0xFFFF9C00  }
0x28: {  	s6 =	sadd.s32 @!p0 $0x1, s20;
	s1 =	sxor.u32 $0x1, s0  }
0x29: {  	s6 =	simm.s32 @p0 $0x1;
	s1 =	smul.u32 $0x19000, s1  }
0x2a: {  	s2 =	smul.u32 $0x320, s6  }
0x2b: {  	s3 =	rddreg [dreg:$0x3];
	s1 =	sshrl.u32 s1, $0x2  }
0x2c: {  	s5 =	simm.s32 $0x80;
	s4 =	sadd.s32 $0x3280, s1;
	s2 =	sshra.s32 s2, $0x2  }
0x2d: {  	[tilespmem:s4], [sflag:$0x1] =	stream.indirect.gather [hbm4b:s3+s5], $0x80, s2, s5, $0xb8;
	[tilespmem:$0x15E80] =	vst v63  }
0x2e: {  	s31 =	simm.s32 $0x48;
	s1 =	sadd.s32 $0x7280, s1;
	s2 =	sadd.s32 $0x80, s2  }
0x2f: {  	[tilespmem:s1], [sflag:$0x1] =	stream.indirect.gather [hbm4b:s3+s31], $0x80, s2, s31, $0xb8;
	[tilespmem:$0x15E80] =	vst v63  }
.LBB2_4:
0x30: {  	s1 =	smul.u32 $0x320, s20;
	_ =	sdelay $0x1  }
0x31: {  	s1 =	sshra.s32 s1, $0x2  }
0x32: {  	s24 =	sadd.s32 $0x1900, s1  }
0x33: {  	v1 =	vld [tilespmem:s24+$0x0];
	_ =	sdelay $0x4  }
0x34: {  	(v2sf) =	vpush v1, $0x0;
	_ =	sdelay $0xe  }
0x35: {  	s0 =	smul.u32 $0x19000, s0;
	s16 =	spop (v2sf)  }
0x36: {  	s2 =	sand.u32 $0x7F, s16;
	s4 =	sshll.u32 s16, $0x2  }
0x37: {  	s0 =	sshrl.u32 s0, $0x2;
	s4 =	sand.u32 $0xFFFFFE00, s4;
	s2 =	sshll.u32 s2, $0x2  }
0x38: {  	s22 =	sadd.s32 $0x3280, s0;
	s17 =	sor.u32 s2, s4  }
0x39: {  	s23 =	simm.s32 $0x0;
	s25 =	sadd.s32 $0x0, s22;
	s0 =	sshra.s32 s17, $0x2  }
0x3a: {  	v2 =	vld [tilespmem:s23+$0xFA80];
	s0 =	sadd.s32 s0, s25  }
0x3b: {  	v3 =	vld [tilespmem:s0+$0x0];
	_ =	sdelay $0x1  }
0x3c: {  	v0 =	vmov s22;
	s18 =	sadd.s32 $0x10, s16  }
0x3d: {  	s19 =	sand.u32 $0x7F, s18;
	s0 =	sshll.u32 s18, $0x2  }
0x3e: {  	s2 =	sshll.u32 s19, $0x2;
	s0 =	sand.u32 $0xFFFFFE00, s0  }
0x3f: {  	s0 =	sor.u32 s2, s0;
	v2 =	vadd.f32 v2, v3  }
0x40: {  	s0 =	sshra.s32 s0, $0x2  }
0x41: {  	s0 =	sadd.s32 s0, s25;
	[tilespmem:v0+s23+$0x0 ss:$0x1] =	vst.idx.msk $0xffff, v2  }
0x42: {  	v2 =	vld [tilespmem:s0+$0x0]  }
0x43: {  	v3 =	vld [tilespmem:s23+$0xFA90];
	_ =	sdelay $0x1  }
0x44: {  	s21 =	sadd.s32 $0x20, s16  }
0x45: {  	s26 =	sand.u32 $0x7F, s21;
	s0 =	sshll.u32 s21, $0x2  }
0x46: {  	s2 =	sshll.u32 s26, $0x2;
	s0 =	sand.u32 $0xFFFFFE00, s0  }
0x47: {  	(v2sf) =	vpush v1, $0x1;
	s0 =	sor.u32 s2, s0;
	v2 =	vadd.f32 v3, v2  }
0x48: {  	s0 =	sshra.s32 s0, $0x2  }
0x49: {  	s0 =	sadd.s32 s0, s25;
	[tilespmem:v0+s23+$0x10 ss:$0x1] =	vst.idx.msk $0xffff, v2  }
0x4a: {  	v2 =	vld [tilespmem:s0+$0x0]  }
0x4b: {  	v3 =	vld [tilespmem:s23+$0xFAA0];
	_ =	sdelay $0x1  }
0x4c: {  	s2 =	sadd.s32 $0x30, s16  }
0x4d: {  	s1 =	sand.u32 $0x7F, s2;
	s0 =	sshll.u32 s2, $0x2  }
0x4e: {  	s1 =	sshll.u32 s1, $0x2;
	s0 =	sand.u32 $0xFFFFFE00, s0  }
0x4f: {  	s0 =	sor.u32 s1, s0;
	v2 =	vadd.f32 v3, v2  }
0x50: {  	s0 =	sshra.s32 s0, $0x2  }
0x51: {  	s0 =	sadd.s32 s0, s25;
	[tilespmem:v0+s23+$0x20 ss:$0x1] =	vst.idx.msk $0xffff, v2  }
0x52: {  	v2 =	vld [tilespmem:s0+$0x0]  }
0x53: {  	v3 =	vld [tilespmem:s23+$0xFAB0];
	_ =	sdelay $0x1  }
0x54: {  	s3 =	spop (v2sf)  }
0x55: {  	s4 =	sand.u32 $0x7F, s3;
	s5 =	sshll.u32 s3, $0x2  }
0x56: {  	s2 =	sand.u32 $0xFFFFFE00, s5;
	s1 =	sshll.u32 s4, $0x2  }
0x57: {  	s1 =	sor.u32 s1, s2;
	v2 =	vadd.f32 v3, v2  }
0x58: {  	s1 =	sshra.s32 s1, $0x2  }
0x59: {  	s1 =	sadd.s32 s1, s25;
	[tilespmem:v0+s23+$0x30 ss:$0x1] =	vst.idx.msk $0xffff, v2  }
0x5a: {  	v2 =	vld [tilespmem:s1+$0x80]  }
0x5b: {  	v3 =	vld [tilespmem:s23+$0xFB00];
	_ =	sdelay $0x1  }
0x5c: {  	[dreg:$0xb] =	wrdreg s6;
	s6 =	sadd.s32 $0x10, s3  }
0x5d: {  	s7 =	sand.u32 $0x7F, s6;
	s1 =	sshll.u32 s6, $0x2  }
0x5e: {  	s2 =	sshll.u32 s7, $0x2;
	s1 =	sand.u32 $0xFFFFFE00, s1  }
0x5f: {  	s1 =	sor.u32 s2, s1;
	v2 =	vadd.f32 v3, v2  }
0x60: {  	s1 =	sshra.s32 s1, $0x2  }
0x61: {  	s1 =	sadd.s32 s1, s25;
	[tilespmem:v0+s23+$0x80 ss:$0x1] =	vst.idx.msk $0xffff, v2  }
0x62: {  	v2 =	vld [tilespmem:s1+$0x80]  }
0x63: {  	v3 =	vld [tilespmem:s23+$0xFB10];
	_ =	sdelay $0x1  }
0x64: {  	s8 =	sadd.s32 $0x20, s3  }
0x65: {  	s9 =	sand.u32 $0x7F, s8;
	s1 =	sshll.u32 s8, $0x2  }
0x66: {  	s2 =	sshll.u32 s9, $0x2;
	s1 =	sand.u32 $0xFFFFFE00, s1  }
0x67: {  	(v2sf) =	vpush v1, $0x2;
	s1 =	sor.u32 s2, s1;
	v2 =	vadd.f32 v3, v2  }
0x68: {  	s1 =	sshra.s32 s1, $0x2  }
0x69: {  	s1 =	sadd.s32 s1, s25;
	[tilespmem:v0+s23+$0x90 ss:$0x1] =	vst.idx.msk $0xffff, v2  }
0x6a: {  	v2 =	vld [tilespmem:s1+$0x80]  }
0x6b: {  	v3 =	vld [tilespmem:s23+$0xFB20];
	_ =	sdelay $0x1  }
0x6c: {  	s0 =	sadd.s32 $0x30, s3  }
0x6d: {  	s10 =	sand.u32 $0x7F, s0;
	s0 =	sshll.u32 s0, $0x2  }
0x6e: {  	s0 =	sand.u32 $0xFFFFFE00, s0;
	s1 =	sshll.u32 s10, $0x2  }
0x6f: {  	s0 =	sor.u32 s1, s0;
	v2 =	vadd.f32 v3, v2  }
0x70: {  	s0 =	sshra.s32 s0, $0x2  }
0x71: {  	s0 =	sadd.s32 s0, s25;
	[tilespmem:v0+s23+$0xA0 ss:$0x1] =	vst.idx.msk $0xffff, v2  }
0x72: {  	v2 =	vld [tilespmem:s0+$0x80]  }
0x73: {  	v3 =	vld [tilespmem:s23+$0xFB30];
	_ =	sdelay $0x1  }
0x74: {  	s11 =	spop (v2sf)  }
0x75: {  	s12 =	sand.u32 $0x7F, s11;
	s13 =	sshll.u32 s11, $0x2  }
0x76: {  	s2 =	sand.u32 $0xFFFFFE00, s13;
	s1 =	sshll.u32 s12, $0x2  }
0x77: {  	s1 =	sor.u32 s1, s2;
	v2 =	vadd.f32 v3, v2  }
0x78: {  	s1 =	sshra.s32 s1, $0x2  }
0x79: {  	s1 =	sadd.s32 s1, s25;
	[tilespmem:v0+s23+$0xB0 ss:$0x1] =	vst.idx.msk $0xffff, v2  }
0x7a: {  	v2 =	vld [tilespmem:s1+$0x100]  }
0x7b: {  	v3 =	vld [tilespmem:s23+$0xFB80];
	_ =	sdelay $0x1  }
0x7c: {  	s14 =	sadd.s32 $0x10, s11  }
0x7d: {  	s15 =	sand.u32 $0x7F, s14;
	s1 =	sshll.u32 s14, $0x2  }
0x7e: {  	s2 =	sshll.u32 s15, $0x2;
	s1 =	sand.u32 $0xFFFFFE00, s1  }
0x7f: {  	s1 =	sor.u32 s2, s1;
	v2 =	vadd.f32 v3, v2  }
0x80: {  	s1 =	sshra.s32 s1, $0x2  }
0x81: {  	s1 =	sadd.s32 s1, s25;
	[tilespmem:v0+s23+$0x100 ss:$0x1] =	vst.idx.msk $0xffff, v2  }
0x82: {  	v2 =	vld [tilespmem:s1+$0x100]  }
0x83: {  	v3 =	vld [tilespmem:s23+$0xFB90];
	_ =	sdelay $0x1  }
0x84: {  	s16 =	sadd.s32 $0x20, s11  }
0x85: {  	s17 =	sand.u32 $0x7F, s16;
	s1 =	sshll.u32 s16, $0x2  }
0x86: {  	s2 =	sshll.u32 s17, $0x2;
	s1 =	sand.u32 $0xFFFFFE00, s1  }
0x87: {  	(v2sf) =	vpush v1, $0x3;
	s1 =	sor.u32 s2, s1;
	v2 =	vadd.f32 v3, v2  }
0x88: {  	s1 =	sshra.s32 s1, $0x2  }
0x89: {  	s1 =	sadd.s32 s1, s25;
	[tilespmem:v0+s23+$0x110 ss:$0x1] =	vst.idx.msk $0xffff, v2  }
0x8a: {  	v2 =	vld [tilespmem:s1+$0x100]  }
0x8b: {  	v3 =	vld [tilespmem:s23+$0xFBA0];
	_ =	sdelay $0x1  }
0x8c: {  	s0 =	sadd.s32 $0x30, s11  }
0x8d: {  	s18 =	sand.u32 $0x7F, s0;
	s0 =	sshll.u32 s0, $0x2  }
0x8e: {  	s0 =	sand.u32 $0xFFFFFE00, s0;
	s1 =	sshll.u32 s18, $0x2  }
0x8f: {  	s0 =	sor.u32 s1, s0;
	v2 =	vadd.f32 v3, v2  }
0x90: {  	s0 =	sshra.s32 s0, $0x2  }
0x91: {  	s0 =	sadd.s32 s0, s25;
	[tilespmem:v0+s23+$0x120 ss:$0x1] =	vst.idx.msk $0xffff, v2  }
0x92: {  	v2 =	vld [tilespmem:s0+$0x100]  }
0x93: {  	v3 =	vld [tilespmem:s23+$0xFBB0];
	_ =	sdelay $0x1  }
0x94: {  	s19 =	spop (v2sf)  }
0x95: {  	s21 =	sand.u32 $0x7F, s19;
	s26 =	sshll.u32 s19, $0x2  }
0x96: {  	s2 =	sand.u32 $0xFFFFFE00, s26;
	s1 =	sshll.u32 s21, $0x2  }
0x97: {  	s1 =	sor.u32 s1, s2;
	v2 =	vadd.f32 v3, v2  }
0x98: {  	s1 =	sshra.s32 s1, $0x2  }
0x99: {  	s1 =	sadd.s32 s1, s25;
	[tilespmem:v0+s23+$0x130 ss:$0x1] =	vst.idx.msk $0xffff, v2  }
0x9a: {  	v2 =	vld [tilespmem:s1+$0x180]  }
0x9b: {  	v3 =	vld [tilespmem:s23+$0xFC00];
	_ =	sdelay $0x1  }
0x9c: {  	s2 =	sadd.s32 $0x10, s19  }
0x9d: {  	s3 =	sand.u32 $0x7F, s2;
	s1 =	sshll.u32 s2, $0x2  }
0x9e: {  	s2 =	sshll.u32 s3, $0x2;
	s1 =	sand.u32 $0xFFFFFE00, s1  }
0x9f: {  	s1 =	sor.u32 s2, s1;
	v2 =	vadd.f32 v3, v2  }
0xa0: {  	s1 =	sshra.s32 s1, $0x2  }
0xa1: {  	s1 =	sadd.s32 s1, s25;
	[tilespmem:v0+s23+$0x180 ss:$0x1] =	vst.idx.msk $0xffff, v2  }
0xa2: {  	v2 =	vld [tilespmem:s1+$0x180]  }
0xa3: {  	v3 =	vld [tilespmem:s23+$0xFC10];
	_ =	sdelay $0x1  }
0xa4: {  	s4 =	sadd.s32 $0x20, s19  }
0xa5: {  	s5 =	sand.u32 $0x7F, s4;
	s1 =	sshll.u32 s4, $0x2  }
0xa6: {  	s2 =	sshll.u32 s5, $0x2;
	s1 =	sand.u32 $0xFFFFFE00, s1  }
0xa7: {  	(v2sf) =	vpush v1, $0x4;
	s1 =	sor.u32 s2, s1;
	v2 =	vadd.f32 v3, v2  }
0xa8: {  	s1 =	sshra.s32 s1, $0x2  }
0xa9: {  	s1 =	sadd.s32 s1, s25;
	[tilespmem:v0+s23+$0x190 ss:$0x1] =	vst.idx.msk $0xffff, v2  }
0xaa: {  	v2 =	vld [tilespmem:s1+$0x180]  }
0xab: {  	v3 =	vld [tilespmem:s23+$0xFC20];
	_ =	sdelay $0x1  }
0xac: {  	s0 =	sadd.s32 $0x30, s19  }
0xad: {  	s6 =	sand.u32 $0x7F, s0;
	s0 =	sshll.u32 s0, $0x2  }
0xae: {  	s0 =	sand.u32 $0xFFFFFE00, s0;
	s1 =	sshll.u32 s6, $0x2  }
0xaf: {  	s0 =	sor.u32 s1, s0;
	v2 =	vadd.f32 v3, v2  }
0xb0: {  	s0 =	sshra.s32 s0, $0x2  }
0xb1: {  	s0 =	sadd.s32 s0, s25;
	[tilespmem:v0+s23+$0x1A0 ss:$0x1] =	vst.idx.msk $0xffff, v2  }
0xb2: {  	v2 =	vld [tilespmem:s0+$0x180]  }
0xb3: {  	v3 =	vld [tilespmem:s23+$0xFC30];
	_ =	sdelay $0x1  }
0xb4: {  	s7 =	spop (v2sf)  }
0xb5: {  	s8 =	sand.u32 $0x7F, s7;
	s9 =	sshll.u32 s7, $0x2  }
0xb6: {  	s2 =	sand.u32 $0xFFFFFE00, s9;
	s1 =	sshll.u32 s8, $0x2  }
0xb7: {  	s1 =	sor.u32 s1, s2;
	v2 =	vadd.f32 v3, v2  }
0xb8: {  	s1 =	sshra.s32 s1, $0x2  }
0xb9: {  	s1 =	sadd.s32 s1, s25;
	[tilespmem:v0+s23+$0x1B0 ss:$0x1] =	vst.idx.msk $0xffff, v2  }
0xba: {  	v2 =	vld [tilespmem:s1+$0x200]  }
0xbb: {  	v3 =	vld [tilespmem:s23+$0xFC80];
	_ =	sdelay $0x1  }
0xbc: {  	s10 =	sadd.s32 $0x10, s7  }
0xbd: {  	s11 =	sand.u32 $0x7F, s10;
	s1 =	sshll.u32 s10, $0x2  }
0xbe: {  	s2 =	sshll.u32 s11, $0x2;
	s1 =	sand.u32 $0xFFFFFE00, s1  }
0xbf: {  	s1 =	sor.u32 s2, s1;
	v2 =	vadd.f32 v3, v2  }
0xc0: {  	s1 =	sshra.s32 s1, $0x2  }
0xc1: {  	s1 =	sadd.s32 s1, s25;
	[tilespmem:v0+s23+$0x200 ss:$0x1] =	vst.idx.msk $0xffff, v2  }
0xc2: {  	v2 =	vld [tilespmem:s1+$0x200]  }
0xc3: {  	v3 =	vld [tilespmem:s23+$0xFC90];
	_ =	sdelay $0x1  }
0xc4: {  	s12 =	sadd.s32 $0x20, s7  }
0xc5: {  	s13 =	sand.u32 $0x7F, s12;
	s1 =	sshll.u32 s12, $0x2  }
0xc6: {  	s2 =	sshll.u32 s13, $0x2;
	s1 =	sand.u32 $0xFFFFFE00, s1  }
0xc7: {  	(v2sf) =	vpush v1, $0x5;
	s1 =	sor.u32 s2, s1;
	v2 =	vadd.f32 v3, v2  }
0xc8: {  	s1 =	sshra.s32 s1, $0x2  }
0xc9: {  	s1 =	sadd.s32 s1, s25;
	[tilespmem:v0+s23+$0x210 ss:$0x1] =	vst.idx.msk $0xffff, v2  }
0xca: {  	v2 =	vld [tilespmem:s1+$0x200]  }
0xcb: {  	v3 =	vld [tilespmem:s23+$0xFCA0];
	_ =	sdelay $0x1  }
0xcc: {  	s0 =	sadd.s32 $0x30, s7  }
0xcd: {  	s14 =	sand.u32 $0x7F, s0;
	s0 =	sshll.u32 s0, $0x2  }
0xce: {  	s0 =	sand.u32 $0xFFFFFE00, s0;
	s1 =	sshll.u32 s14, $0x2  }
0xcf: {  	s0 =	sor.u32 s1, s0;
	v2 =	vadd.f32 v3, v2  }
0xd0: {  	s0 =	sshra.s32 s0, $0x2  }
0xd1: {  	s0 =	sadd.s32 s0, s25;
	[tilespmem:v0+s23+$0x220 ss:$0x1] =	vst.idx.msk $0xffff, v2  }
0xd2: {  	v2 =	vld [tilespmem:s0+$0x200]  }
0xd3: {  	v3 =	vld [tilespmem:s23+$0xFCB0];
	_ =	sdelay $0x1  }
0xd4: {  	s15 =	spop (v2sf)  }
0xd5: {  	s17 =	sshll.u32 s15, $0x2;
	s16 =	sand.u32 $0x7F, s15  }
0xd6: {  	s2 =	sand.u32 $0xFFFFFE00, s17;
	s1 =	sshll.u32 s16, $0x2  }
0xd7: {  	s1 =	sor.u32 s1, s2;
	v2 =	vadd.f32 v3, v2  }
0xd8: {  	s1 =	sshra.s32 s1, $0x2  }
0xd9: {  	s1 =	sadd.s32 s1, s25;
	[tilespmem:v0+s23+$0x230 ss:$0x1] =	vst.idx.msk $0xffff, v2  }
0xda: {  	v2 =	vld [tilespmem:s1+$0x280]  }
0xdb: {  	v3 =	vld [tilespmem:s23+$0xFD00];
	_ =	sdelay $0x1  }
0xdc: {  	s18 =	sadd.s32 $0x10, s15  }
0xdd: {  	s19 =	sand.u32 $0x7F, s18;
	s1 =	sshll.u32 s18, $0x2  }
0xde: {  	s2 =	sshll.u32 s19, $0x2;
	s1 =	sand.u32 $0xFFFFFE00, s1  }
0xdf: {  	s1 =	sor.u32 s2, s1;
	v2 =	vadd.f32 v3, v2  }
0xe0: {  	s1 =	sshra.s32 s1, $0x2  }
0xe1: {  	s1 =	sadd.s32 s1, s25;
	[tilespmem:v0+s23+$0x280 ss:$0x1] =	vst.idx.msk $0xffff, v2  }
0xe2: {  	v2 =	vld [tilespmem:s1+$0x280]  }
0xe3: {  	v3 =	vld [tilespmem:s23+$0xFD10];
	_ =	sdelay $0x1  }
0xe4: {  	s21 =	sadd.s32 $0x20, s15  }
0xe5: {  	s26 =	sand.u32 $0x7F, s21;
	s1 =	sshll.u32 s21, $0x2  }
0xe6: {  	(v2sf) =	vpush v1, $0x6;
	s2 =	sshll.u32 s26, $0x2;
	s1 =	sand.u32 $0xFFFFFE00, s1  }
0xe7: {  	s1 =	sor.u32 s2, s1;
	v2 =	vadd.f32 v3, v2  }
0xe8: {  	s1 =	sshra.s32 s1, $0x2  }
0xe9: {  	s1 =	sadd.s32 s1, s25;
	[tilespmem:v0+s23+$0x290 ss:$0x1] =	vst.idx.msk $0xffff, v2  }
0xea: {  	v2 =	vld [tilespmem:s1+$0x280]  }
0xeb: {  	v3 =	vld [tilespmem:s23+$0xFD20];
	_ =	sdelay $0x1  }
0xec: {  	s0 =	sadd.s32 $0x30, s15  }
0xed: {  	s2 =	sand.u32 $0x7F, s0;
	s0 =	sshll.u32 s0, $0x2  }
0xee: {  	s0 =	sand.u32 $0xFFFFFE00, s0;
	s1 =	sshll.u32 s2, $0x2  }
0xef: {  	s0 =	sor.u32 s1, s0;
	v2 =	vadd.f32 v3, v2  }
0xf0: {  	s0 =	sshra.s32 s0, $0x2  }
0xf1: {  	s0 =	sadd.s32 s0, s25;
	[tilespmem:v0+s23+$0x2A0 ss:$0x1] =	vst.idx.msk $0xffff, v2  }
0xf2: {  	v2 =	vld [tilespmem:s0+$0x280]  }
0xf3: {  	v3 =	vld [tilespmem:s23+$0xFD30]  }
0xf4: {  	s3 =	spop (v2sf);
	(v2sf) =	vpush v1, $0x7;
	_ =	sdelay $0x1  }
0xf5: {  	s5 =	sshll.u32 s3, $0x2;
	s4 =	sand.u32 $0x7F, s3  }
0xf6: {  	s2 =	sand.u32 $0xFFFFFE00, s5;
	s1 =	sshll.u32 s4, $0x2  }
0xf7: {  	s1 =	sor.u32 s1, s2;
	v1 =	vadd.f32 v3, v2  }
0xf8: {  	s1 =	sshra.s32 s1, $0x2  }
0xf9: {  	s1 =	sadd.s32 s1, s25;
	[tilespmem:v0+s23+$0x2B0 ss:$0x1] =	vst.idx.msk $0xffff, v1  }
0xfa: {  	v1 =	vld [tilespmem:s1+$0x300]  }
0xfb: {  	v2 =	vld [tilespmem:s23+$0xFD80];
	_ =	sdelay $0x1  }
0xfc: {  	s6 =	sadd.s32 $0x10, s3  }
0xfd: {  	s7 =	sand.u32 $0x7F, s6;
	s1 =	sshll.u32 s6, $0x2  }
0xfe: {  	s2 =	sshll.u32 s7, $0x2;
	s1 =	sand.u32 $0xFFFFFE00, s1  }
0xff: {  	s1 =	sor.u32 s2, s1;
	v1 =	vadd.f32 v2, v1  }
0x100: {  	s1 =	sshra.s32 s1, $0x2  }
0x101: {  	s8 =	sadd.s32 $0x20, s3;
	s11 =	spop (v2sf);
	s1 =	sadd.s32 s1, s25;
	[tilespmem:v0+s23+$0x300 ss:$0x1] =	vst.idx.msk $0xffff, v1  }
0x102: {  	s9 =	sand.u32 $0x7F, s8;
	s13 =	sand.u32 $0x7F, s11;
	v1 =	vld [tilespmem:s1+$0x300]  }
0x103: {  	s5 =	sshll.u32 s11, $0x2;
	s4 =	sshll.u32 s9, $0x2;
	s7 =	sadd.s32 $0x10, s11;
	v2 =	vld [tilespmem:s23+$0xFD90]  }
0x104: {  	s14 =	sand.u32 $0x7F, s7;
	s7 =	sshll.u32 s7, $0x2;
	s0 =	sadd.s32 $0x30, s3  }
0x105: {  	s5 =	sand.u32 $0xFFFFFE00, s5;
	s7 =	sand.u32 $0xFFFFFE00, s7;
	s12 =	sand.u32 $0x7F, s0  }
0x106: {  	s0 =	sshll.u32 s0, $0x2;
	s2 =	sshll.u32 s8, $0x2;
	s8 =	sadd.s32 $0x20, s11  }
0x107: {  	s0 =	sand.u32 $0xFFFFFE00, s0;
	s2 =	sand.u32 $0xFFFFFE00, s2;
	s15 =	sshll.u32 s8, $0x2  }
0x108: {  	s8 =	sand.u32 $0x7F, s8;
	s10 =	sor.u32 s4, s2;
	s4 =	sshll.u32 s12, $0x2;
	v1 =	vadd.f32 v2, v1  }
0x109: {  	s2 =	sadd.s32 $0x30, s11;
	s16 =	sshll.u32 s8, $0x2;
	s1 =	sshra.s32 s10, $0x2  }
0x10a: {  	s0 =	sor.u32 s4, s0;
	s4 =	sshll.u32 s13, $0x2;
	s1 =	sadd.s32 s1, s25;
	[tilespmem:v0+s23+$0x310 ss:$0x1] =	vst.idx.msk $0xffff, v1  }
0x10b: {  	s17 =	sand.u32 $0x7F, s2;
	s2 =	sshll.u32 s2, $0x2;
	s4 =	sor.u32 s4, s5;
	v1 =	vld [tilespmem:s1+$0x300]  }
0x10c: {  	s5 =	sshll.u32 s14, $0x2;
	s2 =	sand.u32 $0xFFFFFE00, s2;
	s18 =	sshll.u32 s17, $0x2;
	v2 =	vld [tilespmem:s23+$0xFDA0]  }
0x10d: {  	s0 =	sshra.s32 s0, $0x2;
	s5 =	sor.u32 s5, s7;
	s7 =	sand.u32 $0xFFFFFE00, s15  }
0x10e: {  	s2 =	sor.u32 s18, s2;
	s4 =	sshra.s32 s4, $0x2;
	s31 =	sadd.s32 s0, s25  }
0x10f: {  	s30 =	sadd.s32 s4, s25;
	s19 =	sshra.s32 s5, $0x2;
	s1 =	sor.u32 s16, s7  }
0x110: {  	s26 =	sshra.s32 s2, $0x2;
	s28 =	sadd.s32 s19, s25;
	s21 =	sshra.s32 s1, $0x2  }
0x111: {  	s26 =	sadd.s32 s26, s25;
	s29 =	sadd.s32 s21, s25;
	s25 =	simm.s32 $0x1000;
	v1 =	vadd.f32 v2, v1  }
.LBB2_5:
0x112: {  	p0 =	sne.s32 s25, $0x18000  }
0x113: {  	s24 =	sadd.s32 $0x8, s24;
	s0 =	smov.u32 s25;
	s25 =	sadd.s32 $0x1000, s25;
	[tilespmem:v0+s23+$0x320 ss:$0x1] =	vst.idx.msk $0xffff, v1  }
0x114: {  	v1 =	vld [tilespmem:s31+$0x300]  }
0x115: {  	v2 =	vld [tilespmem:s23+$0xFDB0];
	_ =	sdelay $0x4  }
0x116: {  	v1 =	vadd.f32 v2, v1;
	_ =	sdelay $0x1  }
0x117: {  	[tilespmem:v0+s23+$0x330 ss:$0x1] =	vst.idx.msk $0xffff, v1  }
0x118: {  	v1 =	vld [tilespmem:s30+$0x380]  }
0x119: {  	v2 =	vld [tilespmem:s23+$0xFE00];
	_ =	sdelay $0x4  }
0x11a: {  	v1 =	vadd.f32 v2, v1;
	_ =	sdelay $0x1  }
0x11b: {  	[tilespmem:v0+s23+$0x380 ss:$0x1] =	vst.idx.msk $0xffff, v1  }
0x11c: {  	v1 =	vld [tilespmem:s28+$0x380]  }
0x11d: {  	v2 =	vld [tilespmem:s23+$0xFE10];
	_ =	sdelay $0x4  }
0x11e: {  	v1 =	vadd.f32 v2, v1;
	_ =	sdelay $0x1  }
0x11f: {  	[tilespmem:v0+s23+$0x390 ss:$0x1] =	vst.idx.msk $0xffff, v1  }
0x120: {  	v1 =	vld [tilespmem:s29+$0x380]  }
0x121: {  	v2 =	vld [tilespmem:s23+$0xFE20];
	_ =	sdelay $0x4  }
0x122: {  	v1 =	vadd.f32 v2, v1;
	_ =	sdelay $0x1  }
0x123: {  	[tilespmem:v0+s23+$0x3A0 ss:$0x1] =	vst.idx.msk $0xffff, v1  }
0x124: {  	v1 =	vld [tilespmem:s26+$0x380]  }
0x125: {  	v2 =	vld [tilespmem:s23+$0xFE30];
	_ =	sdelay $0x4  }
0x126: {  	v1 =	vadd.f32 v2, v1;
	_ =	sdelay $0x1  }
0x127: {  	[tilespmem:v0+s23+$0x3B0 ss:$0x1] =	vst.idx.msk $0xffff, v1  }
0x128: {  	v1 =	vld [tilespmem:s24+$0x0];
	_ =	sdelay $0x4  }
0x129: {  	(v2sf) =	vpush v1, $0x0  }
0x12a: {  	s23 =	sshra.s32 s0, $0x2;
	_ =	sdelay $0x3  }
0x12b: {  	s26 =	sadd.s32 s23, s22  }
0x12c: {  	v2 =	vld [tilespmem:s23+$0xFA80];
	_ =	sdelay $0x2  }
0x12d: {  	(v2sf) =	vpush v1, $0x1;
	_ =	sdelay $0x5  }
0x12e: {  	s0 =	spop (v2sf)  }
0x12f: {  	s1 =	sand.u32 $0x7F, s0;
	s2 =	sshll.u32 s0, $0x2;
	s4 =	sadd.s32 $0x10, s0  }
0x130: {  	s2 =	sand.u32 $0xFFFFFE00, s2;
	s1 =	sshll.u32 s1, $0x2;
	s5 =	sand.u32 $0x7F, s4  }
0x131: {  	s1 =	sor.u32 s1, s2;
	s2 =	sshll.u32 s4, $0x2;
	s4 =	sadd.s32 $0x20, s0  }
0x132: {  	s5 =	sshll.u32 s5, $0x2;
	s1 =	sshra.s32 s1, $0x2;
	s2 =	sand.u32 $0xFFFFFE00, s2  }
0x133: {  	s1 =	sadd.s32 s1, s26;
	s2 =	sor.u32 s5, s2;
	s5 =	sand.u32 $0x7F, s4;
	(v2sf) =	vpush v1, $0x2  }
0x134: {  	v3 =	vld [tilespmem:s1+$0x0];
	s1 =	sshra.s32 s2, $0x2;
	s2 =	sshll.u32 s4, $0x2;
	s4 =	sshll.u32 s5, $0x2  }
0x135: {  	s0 =	sadd.s32 $0x30, s0;
	s1 =	sadd.s32 s1, s26;
	s2 =	sand.u32 $0xFFFFFE00, s2  }
0x136: {  	s5 =	sor.u32 s4, s2;
	s2 =	sand.u32 $0x7F, s0;
	s0 =	sshll.u32 s0, $0x2  }
0x137: {  	s0 =	sand.u32 $0xFFFFFE00, s0;
	s2 =	sshll.u32 s2, $0x2;
	s4 =	spop (v2sf)  }
0x138: {  	s0 =	sor.u32 s2, s0;
	s2 =	sand.u32 $0x7F, s4;
	s7 =	sshll.u32 s4, $0x2  }
0x139: {  	v2 =	vadd.f32 v2, v3;
	s0 =	sshra.s32 s0, $0x2;
	s7 =	sand.u32 $0xFFFFFE00, s7;
	s8 =	sshll.u32 s2, $0x2  }
0x13a: {  	s2 =	sadd.s32 s0, s26;
	s0 =	sor.u32 s8, s7;
	s7 =	sadd.s32 $0x10, s4  }
0x13b: {  	[tilespmem:v0+s23+$0x0 ss:$0x1] =	vst.idx.msk $0xffff, v2;
	s0 =	sshra.s32 s0, $0x2;
	s8 =	sand.u32 $0x7F, s7;
	s9 =	sshll.u32 s7, $0x2  }
0x13c: {  	v2 =	vld [tilespmem:s1+$0x0];
	s7 =	sadd.s32 s0, s26;
	s0 =	sand.u32 $0xFFFFFE00, s9;
	s1 =	sshll.u32 s8, $0x2  }
0x13d: {  	s8 =	sadd.s32 $0x30, s4;
	v3 =	vld [tilespmem:s23+$0xFA90];
	s0 =	sor.u32 s1, s0;
	s1 =	sadd.s32 $0x20, s4  }
0x13e: {  	s0 =	sshra.s32 s0, $0x2;
	s9 =	sand.u32 $0x7F, s1;
	s1 =	sshll.u32 s1, $0x2;
	(v2sf) =	vpush v1, $0x3  }
0x13f: {  	s4 =	sadd.s32 s0, s26;
	s0 =	sand.u32 $0xFFFFFE00, s1;
	s1 =	sshll.u32 s9, $0x2  }
0x140: {  	s0 =	sor.u32 s1, s0;
	s1 =	sand.u32 $0x7F, s8;
	s8 =	sshll.u32 s8, $0x2  }
0x141: {  	s0 =	sshra.s32 s0, $0x2;
	s8 =	sand.u32 $0xFFFFFE00, s8;
	s9 =	sshll.u32 s1, $0x2  }
0x142: {  	v2 =	vadd.f32 v3, v2;
	s1 =	sadd.s32 s0, s26;
	s0 =	sor.u32 s9, s8;
	s8 =	spop (v2sf)  }
0x143: {  	s5 =	sshra.s32 s5, $0x2;
	s9 =	sand.u32 $0x7F, s8;
	s10 =	sshll.u32 s8, $0x2  }
0x144: {  	s5 =	sadd.s32 s5, s26;
	[tilespmem:v0+s23+$0x10 ss:$0x1] =	vst.idx.msk $0xffff, v2;
	s10 =	sand.u32 $0xFFFFFE00, s10;
	s9 =	sshll.u32 s9, $0x2  }
0x145: {  	v2 =	vld [tilespmem:s5+$0x0];
	s5 =	sor.u32 s9, s10;
	s9 =	sadd.s32 $0x10, s8;
	s10 =	sadd.s32 $0x20, s8  }
0x146: {  	v3 =	vld [tilespmem:s23+$0xFAA0];
	s5 =	sshra.s32 s5, $0x2;
	s11 =	sand.u32 $0x7F, s9;
	s9 =	sshll.u32 s9, $0x2  }
0x147: {  	s28 =	sadd.s32 s5, s26;
	s5 =	sand.u32 $0xFFFFFE00, s9;
	s9 =	sshll.u32 s11, $0x2  }
0x148: {  	s5 =	sor.u32 s9, s5;
	s9 =	sand.u32 $0x7F, s10;
	s10 =	sshll.u32 s10, $0x2  }
0x149: {  	s5 =	sshra.s32 s5, $0x2;
	s10 =	sand.u32 $0xFFFFFE00, s10;
	s9 =	sshll.u32 s9, $0x2;
	(v2sf) =	vpush v1, $0x4  }
0x14a: {  	s8 =	sadd.s32 $0x30, s8;
	s29 =	sadd.s32 s5, s26;
	s5 =	sor.u32 s9, s10  }
0x14b: {  	s9 =	sand.u32 $0x7F, s8;
	s8 =	sshll.u32 s8, $0x2;
	v2 =	vadd.f32 v3, v2;
	s5 =	sshra.s32 s5, $0x2  }
0x14c: {  	s15 =	sadd.s32 s5, s26;
	s5 =	sand.u32 $0xFFFFFE00, s8;
	s8 =	sshll.u32 s9, $0x2  }
0x14d: {  	[tilespmem:v0+s23+$0x20 ss:$0x1] =	vst.idx.msk $0xffff, v2;
	s5 =	sor.u32 s8, s5;
	s8 =	spop (v2sf)  }
0x14e: {  	v2 =	vld [tilespmem:s2+$0x0];
	s2 =	sshra.s32 s5, $0x2;
	s5 =	sand.u32 $0x7F, s8;
	s9 =	sshll.u32 s8, $0x2  }
0x14f: {  	v3 =	vld [tilespmem:s23+$0xFAB0];
	s2 =	sadd.s32 s2, s26;
	s9 =	sand.u32 $0xFFFFFE00, s9;
	s5 =	sshll.u32 s5, $0x2  }
0x150: {  	s10 =	sadd.s32 $0x20, s8;
	s5 =	sor.u32 s5, s9;
	s9 =	sadd.s32 $0x10, s8  }
0x151: {  	s5 =	sshra.s32 s5, $0x2;
	s11 =	sand.u32 $0x7F, s9;
	s9 =	sshll.u32 s9, $0x2  }
0x152: {  	s13 =	sadd.s32 s5, s26;
	s5 =	sand.u32 $0xFFFFFE00, s9;
	s9 =	sshll.u32 s11, $0x2  }
0x153: {  	s5 =	sor.u32 s9, s5;
	s9 =	sand.u32 $0x7F, s10;
	s10 =	sshll.u32 s10, $0x2  }
0x154: {  	v2 =	vadd.f32 v3, v2;
	s5 =	sshra.s32 s5, $0x2;
	s10 =	sand.u32 $0xFFFFFE00, s10;
	s9 =	sshll.u32 s9, $0x2;
	(v2sf) =	vpush v1, $0x5  }
0x155: {  	s8 =	sadd.s32 $0x30, s8;
	s5 =	sadd.s32 s5, s26;
	s9 =	sor.u32 s9, s10  }
0x156: {  	s10 =	sand.u32 $0x7F, s8;
	s8 =	sshll.u32 s8, $0x2;
	[tilespmem:v0+s23+$0x30 ss:$0x1] =	vst.idx.msk $0xffff, v2;
	s9 =	sshra.s32 s9, $0x2  }
0x157: {  	v2 =	vld [tilespmem:s7+$0x80];
	s11 =	sadd.s32 s9, s26;
	s7 =	sand.u32 $0xFFFFFE00, s8;
	s8 =	sshll.u32 s10, $0x2  }
0x158: {  	v3 =	vld [tilespmem:s23+$0xFB00];
	s7 =	sor.u32 s8, s7;
	s8 =	spop (v2sf)  }
0x159: {  	s7 =	sshra.s32 s7, $0x2;
	s10 =	sand.u32 $0x7F, s8;
	s12 =	sshll.u32 s8, $0x2  }
0x15a: {  	s9 =	sadd.s32 s7, s26;
	s7 =	sand.u32 $0xFFFFFE00, s12;
	s10 =	sshll.u32 s10, $0x2  }
0x15b: {  	s12 =	sadd.s32 $0x20, s8;
	s7 =	sor.u32 s10, s7;
	s10 =	sadd.s32 $0x10, s8  }
0x15c: {  	s7 =	sshra.s32 s7, $0x2;
	s14 =	sand.u32 $0x7F, s10;
	s10 =	sshll.u32 s10, $0x2  }
0x15d: {  	v2 =	vadd.f32 v3, v2;
	s18 =	sadd.s32 s7, s26;
	s7 =	sand.u32 $0xFFFFFE00, s10;
	s10 =	sshll.u32 s14, $0x2  }
0x15e: {  	s7 =	sor.u32 s10, s7;
	s10 =	sand.u32 $0x7F, s12;
	s12 =	sshll.u32 s12, $0x2  }
0x15f: {  	[tilespmem:v0+s23+$0x80 ss:$0x1] =	vst.idx.msk $0xffff, v2;
	s7 =	sshra.s32 s7, $0x2;
	s12 =	sand.u32 $0xFFFFFE00, s12;
	s10 =	sshll.u32 s10, $0x2;
	(v2sf) =	vpush v1, $0x6  }
0x160: {  	v2 =	vld [tilespmem:s4+$0x80];
	s19 =	sadd.s32 s7, s26;
	s4 =	sor.u32 s10, s12;
	s7 =	sadd.s32 $0x30, s8  }
0x161: {  	v3 =	vld [tilespmem:s23+$0xFB10];
	s4 =	sshra.s32 s4, $0x2;
	s8 =	sand.u32 $0x7F, s7;
	s7 =	sshll.u32 s7, $0x2  }
0x162: {  	s4 =	sadd.s32 s4, s26;
	s7 =	sand.u32 $0xFFFFFE00, s7;
	s8 =	sshll.u32 s8, $0x2  }
0x163: {  	s7 =	sor.u32 s8, s7;
	s8 =	spop (v2sf)  }
0x164: {  	s7 =	sshra.s32 s7, $0x2;
	s10 =	sand.u32 $0x7F, s8;
	s12 =	sshll.u32 s8, $0x2  }
0x165: {  	s14 =	sadd.s32 s7, s26;
	s7 =	sand.u32 $0xFFFFFE00, s12;
	s10 =	sshll.u32 s10, $0x2  }
0x166: {  	s12 =	sadd.s32 $0x20, s8;
	v2 =	vadd.f32 v3, v2;
	s7 =	sor.u32 s10, s7;
	s10 =	sadd.s32 $0x10, s8  }
0x167: {  	s7 =	sshra.s32 s7, $0x2;
	s30 =	sand.u32 $0x7F, s10;
	s10 =	sshll.u32 s10, $0x2  }
0x168: {  	[tilespmem:v0+s23+$0x90 ss:$0x1] =	vst.idx.msk $0xffff, v2;
	s16 =	sadd.s32 s7, s26;
	s7 =	sand.u32 $0xFFFFFE00, s10;
	s10 =	sshll.u32 s30, $0x2;
	(v2sf) =	vpush v1, $0x7  }
0x169: {  	v1 =	vld [tilespmem:s1+$0x80];
	s1 =	sor.u32 s10, s7;
	s7 =	sand.u32 $0x7F, s12;
	s10 =	sshll.u32 s12, $0x2  }
0x16a: {  	v2 =	vld [tilespmem:s23+$0xFB20];
	s1 =	sshra.s32 s1, $0x2;
	s10 =	sand.u32 $0xFFFFFE00, s10;
	s12 =	sshll.u32 s7, $0x2  }
0x16b: {  	s8 =	sadd.s32 $0x30, s8;
	s7 =	sadd.s32 s1, s26;
	s1 =	sor.u32 s12, s10  }
0x16c: {  	s10 =	sand.u32 $0x7F, s8;
	s8 =	sshll.u32 s8, $0x2;
	s1 =	sshra.s32 s1, $0x2  }
0x16d: {  	s8 =	sand.u32 $0xFFFFFE00, s8;
	s10 =	sshll.u32 s10, $0x2;
	s1 =	sadd.s32 s1, s26  }
0x16e: {  	s8 =	sor.u32 s10, s8;
	s12 =	spop (v2sf)  }
0x16f: {  	s8 =	sshra.s32 s8, $0x2;
	v1 =	vadd.f32 v2, v1;
	s10 =	sand.u32 $0x7F, s12;
	s30 =	sshll.u32 s12, $0x2  }
0x170: {  	s31 =	sshra.s32 s0, $0x2;
	s0 =	sadd.s32 s8, s26;
	s8 =	sand.u32 $0xFFFFFE00, s30  }
0x171: {  	s30 =	sadd.s32 s31, s26;
	s10 =	sshll.u32 s10, $0x2;
	s31 =	sadd.s32 $0x10, s12;
	[tilespmem:v0+s23+$0xA0 ss:$0x1] =	vst.idx.msk $0xffff, v1  }
0x172: {  	s8 =	sor.u32 s10, s8;
	s10 =	sand.u32 $0x7F, s31;
	v1 =	vld [tilespmem:s30+$0x80];
	s30 =	sshll.u32 s31, $0x2  }
0x173: {  	s8 =	sshra.s32 s8, $0x2;
	s10 =	sshll.u32 s10, $0x2;
	v2 =	vld [tilespmem:s23+$0xFB30];
	s30 =	sand.u32 $0xFFFFFE00, s30  }
0x174: {  	s8 =	sadd.s32 s8, s26;
	s10 =	sor.u32 s10, s30;
	s30 =	sadd.s32 $0x20, s12  }
0x175: {  	s10 =	sshra.s32 s10, $0x2;
	s31 =	sand.u32 $0x7F, s30;
	s30 =	sshll.u32 s30, $0x2  }
0x176: {  	s10 =	sadd.s32 s10, s26;
	s30 =	sand.u32 $0xFFFFFE00, s30;
	s31 =	sshll.u32 s31, $0x2  }
0x177: {  	s12 =	sadd.s32 $0x30, s12;
	s30 =	sor.u32 s31, s30;
	s6 =	spop (v2sf)  }
0x178: {  	s3 =	sshll.u32 s12, $0x2;
	s31 =	sand.u32 $0x7F, s12;
	v1 =	vadd.f32 v2, v1;
	s30 =	sshra.s32 s30, $0x2  }
0x179: {  	s3 =	sand.u32 $0xFFFFFE00, s3;
	s12 =	sadd.s32 s30, s26;
	s30 =	sshll.u32 s31, $0x2  }
0x17a: {  	s31 =	sshll.u32 s6, $0x2;
	[tilespmem:v0+s23+$0xB0 ss:$0x1] =	vst.idx.msk $0xffff, v1;
	s3 =	sor.u32 s30, s3;
	s30 =	sand.u32 $0x7F, s6  }
0x17b: {  	v1 =	vld [tilespmem:s28+$0x100];
	s3 =	sshra.s32 s3, $0x2;
	s28 =	sand.u32 $0xFFFFFE00, s31;
	s30 =	sshll.u32 s30, $0x2  }
0x17c: {  	v2 =	vld [tilespmem:s23+$0xFB80];
	s31 =	sadd.s32 s3, s26;
	s3 =	sor.u32 s30, s28;
	s28 =	sadd.s32 $0x10, s6  }
0x17d: {  	s3 =	sshra.s32 s3, $0x2;
	s17 =	sand.u32 $0x7F, s28;
	s28 =	sshll.u32 s28, $0x2  }
0x17e: {  	s30 =	sadd.s32 s3, s26;
	s3 =	sand.u32 $0xFFFFFE00, s28;
	s17 =	sshll.u32 s17, $0x2  }
0x17f: {  	s3 =	sor.u32 s17, s3;
	s17 =	sadd.s32 $0x20, s6;
	s6 =	sadd.s32 $0x30, s6  }
0x180: {  	s3 =	sshra.s32 s3, $0x2;
	s21 =	sand.u32 $0x7F, s17;
	s17 =	sshll.u32 s17, $0x2  }
0x181: {  	v1 =	vadd.f32 v2, v1;
	s28 =	sadd.s32 s3, s26;
	s3 =	sand.u32 $0xFFFFFE00, s17;
	s17 =	sshll.u32 s21, $0x2  }
0x182: {  	s3 =	sor.u32 s17, s3;
	s17 =	sand.u32 $0x7F, s6;
	s6 =	sshll.u32 s6, $0x2  }
0x183: {  	[tilespmem:v0+s23+$0x100 ss:$0x1] =	vst.idx.msk $0xffff, v1;
	s3 =	sshra.s32 s3, $0x2;
	s6 =	sand.u32 $0xFFFFFE00, s6;
	s17 =	sshll.u32 s17, $0x2  }
0x184: {  	v1 =	vld [tilespmem:s29+$0x100];
	s29 =	sadd.s32 s3, s26;
	s3 =	sor.u32 s17, s6  }
0x185: {  	v2 =	vld [tilespmem:s23+$0xFB90];
	s3 =	sshra.s32 s3, $0x2  }
0x186: {  	s26 =	sadd.s32 s3, s26;
	_ =	sdelay $0x3  }
0x187: {  	v1 =	vadd.f32 v2, v1;
	_ =	sdelay $0x1  }
0x188: {  	[tilespmem:v0+s23+$0x110 ss:$0x1] =	vst.idx.msk $0xffff, v1  }
0x189: {  	v1 =	vld [tilespmem:s15+$0x100]  }
0x18a: {  	v2 =	vld [tilespmem:s23+$0xFBA0];
	_ =	sdelay $0x4  }
0x18b: {  	v1 =	vadd.f32 v2, v1;
	_ =	sdelay $0x1  }
0x18c: {  	[tilespmem:v0+s23+$0x120 ss:$0x1] =	vst.idx.msk $0xffff, v1  }
0x18d: {  	v1 =	vld [tilespmem:s2+$0x100]  }
0x18e: {  	v2 =	vld [tilespmem:s23+$0xFBB0];
	_ =	sdelay $0x4  }
0x18f: {  	v1 =	vadd.f32 v2, v1;
	_ =	sdelay $0x1  }
0x190: {  	[tilespmem:v0+s23+$0x130 ss:$0x1] =	vst.idx.msk $0xffff, v1  }
0x191: {  	v1 =	vld [tilespmem:s13+$0x180]  }
0x192: {  	v2 =	vld [tilespmem:s23+$0xFC00];
	_ =	sdelay $0x4  }
0x193: {  	v1 =	vadd.f32 v2, v1;
	_ =	sdelay $0x1  }
0x194: {  	[tilespmem:v0+s23+$0x180 ss:$0x1] =	vst.idx.msk $0xffff, v1  }
0x195: {  	v1 =	vld [tilespmem:s5+$0x180]  }
0x196: {  	v2 =	vld [tilespmem:s23+$0xFC10];
	_ =	sdelay $0x4  }
0x197: {  	v1 =	vadd.f32 v2, v1;
	_ =	sdelay $0x1  }
0x198: {  	[tilespmem:v0+s23+$0x190 ss:$0x1] =	vst.idx.msk $0xffff, v1  }
0x199: {  	v1 =	vld [tilespmem:s11+$0x180]  }
0x19a: {  	v2 =	vld [tilespmem:s23+$0xFC20];
	_ =	sdelay $0x4  }
0x19b: {  	v1 =	vadd.f32 v2, v1;
	_ =	sdelay $0x1  }
0x19c: {  	[tilespmem:v0+s23+$0x1A0 ss:$0x1] =	vst.idx.msk $0xffff, v1  }
0x19d: {  	v1 =	vld [tilespmem:s9+$0x180]  }
0x19e: {  	v2 =	vld [tilespmem:s23+$0xFC30];
	_ =	sdelay $0x4  }
0x19f: {  	v1 =	vadd.f32 v2, v1;
	_ =	sdelay $0x1  }
0x1a0: {  	[tilespmem:v0+s23+$0x1B0 ss:$0x1] =	vst.idx.msk $0xffff, v1  }
0x1a1: {  	v1 =	vld [tilespmem:s18+$0x200]  }
0x1a2: {  	v2 =	vld [tilespmem:s23+$0xFC80];
	_ =	sdelay $0x4  }
0x1a3: {  	v1 =	vadd.f32 v2, v1;
	_ =	sdelay $0x1  }
0x1a4: {  	[tilespmem:v0+s23+$0x200 ss:$0x1] =	vst.idx.msk $0xffff, v1  }
0x1a5: {  	v1 =	vld [tilespmem:s19+$0x200]  }
0x1a6: {  	v2 =	vld [tilespmem:s23+$0xFC90];
	_ =	sdelay $0x4  }
0x1a7: {  	v1 =	vadd.f32 v2, v1;
	_ =	sdelay $0x1  }
0x1a8: {  	[tilespmem:v0+s23+$0x210 ss:$0x1] =	vst.idx.msk $0xffff, v1  }
0x1a9: {  	v1 =	vld [tilespmem:s4+$0x200]  }
0x1aa: {  	v2 =	vld [tilespmem:s23+$0xFCA0];
	_ =	sdelay $0x4  }
0x1ab: {  	v1 =	vadd.f32 v2, v1;
	_ =	sdelay $0x1  }
0x1ac: {  	[tilespmem:v0+s23+$0x220 ss:$0x1] =	vst.idx.msk $0xffff, v1  }
0x1ad: {  	v1 =	vld [tilespmem:s14+$0x200]  }
0x1ae: {  	v2 =	vld [tilespmem:s23+$0xFCB0];
	_ =	sdelay $0x4  }
0x1af: {  	v1 =	vadd.f32 v2, v1;
	_ =	sdelay $0x1  }
0x1b0: {  	[tilespmem:v0+s23+$0x230 ss:$0x1] =	vst.idx.msk $0xffff, v1  }
0x1b1: {  	v1 =	vld [tilespmem:s16+$0x280]  }
0x1b2: {  	v2 =	vld [tilespmem:s23+$0xFD00];
	_ =	sdelay $0x4  }
0x1b3: {  	v1 =	vadd.f32 v2, v1;
	_ =	sdelay $0x1  }
0x1b4: {  	[tilespmem:v0+s23+$0x280 ss:$0x1] =	vst.idx.msk $0xffff, v1  }
0x1b5: {  	v1 =	vld [tilespmem:s7+$0x280]  }
0x1b6: {  	v2 =	vld [tilespmem:s23+$0xFD10];
	_ =	sdelay $0x4  }
0x1b7: {  	v1 =	vadd.f32 v2, v1;
	_ =	sdelay $0x1  }
0x1b8: {  	[tilespmem:v0+s23+$0x290 ss:$0x1] =	vst.idx.msk $0xffff, v1  }
0x1b9: {  	v1 =	vld [tilespmem:s1+$0x280]  }
0x1ba: {  	v2 =	vld [tilespmem:s23+$0xFD20];
	_ =	sdelay $0x4  }
0x1bb: {  	v1 =	vadd.f32 v2, v1;
	_ =	sdelay $0x1  }
0x1bc: {  	[tilespmem:v0+s23+$0x2A0 ss:$0x1] =	vst.idx.msk $0xffff, v1  }
0x1bd: {  	v1 =	vld [tilespmem:s0+$0x280]  }
0x1be: {  	v2 =	vld [tilespmem:s23+$0xFD30];
	_ =	sdelay $0x4  }
0x1bf: {  	v1 =	vadd.f32 v2, v1;
	_ =	sdelay $0x1  }
0x1c0: {  	[tilespmem:v0+s23+$0x2B0 ss:$0x1] =	vst.idx.msk $0xffff, v1  }
0x1c1: {  	v1 =	vld [tilespmem:s8+$0x300]  }
0x1c2: {  	v2 =	vld [tilespmem:s23+$0xFD80];
	_ =	sdelay $0x4  }
0x1c3: {  	v1 =	vadd.f32 v2, v1;
	_ =	sdelay $0x1  }
0x1c4: {  	[tilespmem:v0+s23+$0x300 ss:$0x1] =	vst.idx.msk $0xffff, v1  }
0x1c5: {  	v1 =	vld [tilespmem:s10+$0x300]  }
0x1c6: {  	v2 =	vld [tilespmem:s23+$0xFD90];
	_ =	sdelay $0x4  }
0x1c7: {  	v1 =	vadd.f32 v2, v1;
	_ =	sdelay $0x1  }
0x1c8: {  	[tilespmem:v0+s23+$0x310 ss:$0x1] =	vst.idx.msk $0xffff, v1  }
0x1c9: {  	v1 =	vld [tilespmem:s12+$0x300]  }
0x1ca: {  	v2 =	vld [tilespmem:s23+$0xFDA0]  }
.Ltmp1:
0x1cb: {  	(pc) =	sbr.rel @p0 .LBB2_5-.Ltmp1, $2  }
0x1cc: {  	_ =	sdelay $0x2  }
0x1cd: {  	v1 =	vadd.f32 v2, v1  }
0x1ce: {  	_ =	sdelay $0x3  }
0x1cf: {  	[tilespmem:v0+s23+$0x320 ss:$0x1] =	vst.idx.msk $0xffff, v1  }
0x1d0: {  	v1 =	vld [tilespmem:s31+$0x300]  }
0x1d1: {  	v2 =	vld [tilespmem:s23+$0xFDB0];
	_ =	sdelay $0x4  }
0x1d2: {  	v1 =	vadd.f32 v2, v1;
	_ =	sdelay $0x1  }
0x1d3: {  	[tilespmem:v0+s23+$0x330 ss:$0x1] =	vst.idx.msk $0xffff, v1  }
0x1d4: {  	v1 =	vld [tilespmem:s30+$0x380]  }
0x1d5: {  	v60 =	vld [tilespmem:s23+$0xFE00];
	_ =	sdelay $0x4  }
0x1d6: {  	v1 =	vadd.f32 v60, v1;
	_ =	sdelay $0x1  }
0x1d7: {  	[tilespmem:v0+s23+$0x380 ss:$0x1] =	vst.idx.msk $0xffff, v1  }
0x1d8: {  	v1 =	vld [tilespmem:s28+$0x380]  }
0x1d9: {  	v61 =	vld [tilespmem:s23+$0xFE10];
	_ =	sdelay $0x4  }
0x1da: {  	v1 =	vadd.f32 v61, v1;
	_ =	sdelay $0x1  }
0x1db: {  	[tilespmem:v0+s23+$0x390 ss:$0x1] =	vst.idx.msk $0xffff, v1  }
0x1dc: {  	v1 =	vld [tilespmem:s29+$0x380]  }
0x1dd: {  	v62 =	vld [tilespmem:s23+$0xFE20];
	_ =	sdelay $0x4  }
0x1de: {  	v1 =	vadd.f32 v62, v1;
	_ =	sdelay $0x1  }
0x1df: {  	[tilespmem:v0+s23+$0x3A0 ss:$0x1] =	vst.idx.msk $0xffff, v1  }
0x1e0: {  	v1 =	vld [tilespmem:s26+$0x380]  }
0x1e1: {  	v63 =	vld [tilespmem:s23+$0xFE30]  }
0x1e2: {  	s0 =	rddreg [dreg:$0x6]  }
0x1e3: {  	s0 =	sor.u32 s0, s20;
	s20 =	rddreg [dreg:$0xb]  }
0x1e4: {  	p0 =	slt.u32 s20, $0x20  }
.Ltmp2:
0x1e5: {  	_ = 	snop;
	(pc) =	sbr.rel @p0 .LBB2_2-.Ltmp2, $4  }
0x1e6: {  	s0 =	smul.u32 $0xC80, s0;
	v1 =	vadd.f32 v63, v1  }
0x1e7: {  	s1 =	rddreg [dreg:$0x5]  }
0x1e8: {  	s31 =	simm.s32 $0x0;
	s0 =	sadd.s32 s1, s0;
	[tilespmem:v0+s23+$0x3B0 ss:$0x1] =	vst.idx.msk $0xffff, v1  }
0x1e9: {  	[hbm4b:s0+s31] =	stream.linear.scatter [tilespmem:s22], [sflag:$0x2], $0x6400, $0x38;
	[tilespmem:$0x15E80] =	vst v63  }
0x1ea: {  	s1 =	simm.s32 $0x2  }
0x1eb: {  	_ =	swait.ge [sflag:s1], $0x6400  }
0x1ec: {  	s2 =	rddreg [dreg:$0xa]  }
0x1ed: {  	s0 =	rddreg [dreg:$0x9];
	s2 =	sadd.s32 $0x1, s2  }
0x1ee: {  	p0 =	sne.s32 s2, s0  }
.Ltmp3:
0x1ef: {  	_ = 	snop;
	(pc) =	sbr.rel @p0 .LBB2_1-.Ltmp3, $3  }
0x1f0: {  	_ =	sdelay $0x1  }
0x1f1: {  	[sflag:s1] =	ssyncset.done $0x0  }
0x1f2: {  	[sflag:s1] =	ssyncadd.s32 $0xFFFF9C00  }
0x1f3: {  	_ =	sfence.sel $0x180000  }
0x1f4: {  	[bflag:$0x0] =	sbarrier.arrive $0xFFFF  }
0x1f5: {  	_ =	strace $0x90000047  }
0x1f6: {  	s0 =	stileid.u32;
	[bflag:$0x2] =	sbarrier.arrive $0xFFFF  }
0x1f7: {  	p0 =	sne.s32 s0, $0x0;
	s0 =	rddreg [dreg:$0x2]  }
0x1f8: {  	s0 =	sadd.s32 @!p0 $0x100000, s0  }
0x1f9: {  	[sflag:s0] =	ssyncadd.tile.s32 @!p0 $0x1;
	_ =	shalt  }
.Lfunc_end2:
_tile_overlayer_lowered:
.L_overlay_start_2:
0x1fa: {  	(tag) =	ssettag $0x2  }
0x1fb: {  	s0 =	rddreg [dreg:$0x0];
	s2 =	stileid.u32  }
0x1fc: {  	s1 =	rddreg [dreg:$0x1];
	p0 =	sne.s32 s2, $0x0  }
0x1fd: {  	s3 =	rddreg [dreg:$0x2];
	[bflag:$0x3] =	sbarrier.arrive $0xFFFF;
	s2 =	simm.s32 @!p0 $0x1C03  }
0x1fe: {  	[timem:s3], [sflag:s2] =	dma.local @!p0 [hbm:s0], s1  }
0x1ff: {  	s0 =	simm.s32 @!p0 $0x3  }
0x200: {  	_ =	swait.ge @!p0 [sflag:s0], s1  }
0x201: {  	s1 =	ssub.s32 @!p0 $0x0, s1;
	[sflag:s0] =	ssyncset.done @!p0 $0x0  }
0x202: {  	[sflag:s0] =	ssyncadd.s32 @!p0 s1  }
0x203: {  	[bflag:$0x3] =	sbarrier.arrive $0xFFFF  }
0x204: {  	_ =	shalt  }

// kernel: sparse-core-data-format-call.cloned.1.call-start
scs
called_computation_lowered:
.L_overlay_start_0:
0x0: {  	s2 =	sld [smem:$0x3FD9]  }
0x1: {  	s3 =	sld [smem:$0x3FFE];
	_ =	sdelay $0x1  }
0x2: {  	s1 =	srdreg.scid  }
0x3: {  	s0 =	sand.u32 $0x1, s1  }
0x4: {  	s18 =	sshll.u32 s0, $0xA;
	s2 =	sadd.s32 s3, s2  }
0x5: {  	s2 =	sadd.s32 s2, s18  }
0x6: {  	[smem:$0x3FC5] =	sst s2  }
0x7: {  	_ = 	snop  }
0x8: {  	s2 =	sld [smem:$0x3FD0];
	(tm) =	ssettm $0x1  }
0x9: {  	s19 =	sld [smem:$0x3FFB];
	_ =	sdelay $0x3  }
0xa: {  	_ =	strace s19  }
0xb: {  	s3 =	sld [smem:$0x3FFC];
	_ =	sdelay $0x3  }
0xc: {  	_ =	strace s3  }
0xd: {  	s3 =	sld [smem:$0x3FFD];
	_ =	sdelay $0x3  }
0xe: {  	_ =	strace s3  }
0xf: {  	_ =	strace $0x8FFFFFFF  }
0x10: {  	s20 =	sld [smem:$0x3FDB];
	_ =	sdelay $0x1  }
0x11: {  	s4 =	simm.s32 $_scs_section_size  }
0x12: {  	s5 =	simm.s32 $_size__tile_overlayer_lowered;
	s6 =	simm.s32 $_tile_overlayer_lowered  }
0x13: {  	s23 =	simm.s32 $0x1BFF;
	s22 =	sshll.u32 s6, $0x1;
	s3 =	sadd.s32 s4, s20  }
0x14: {  	s7 =	simm.s32 $0x0;
	s21 =	sshll.u32 s5, $0x1;
	s5 =	sadd.s32 s22, s3  }
0x15: {  	[timem:s7], [sflag:s23] =	dma.local [hbm:s5], s21  }
0x16: {  	_ =	swait.ge [sflag:s23], s21  }
0x17: {  	s4 =	ssub.s32 $0x0, s21;
	[sflag:s23] =	ssyncset.done $0x0  }
0x18: {  	[sflag:s23] =	ssyncadd.s32 s4;
	_ =	sdelay $0x1  }
0x19: {  	s24 =	simm.s32 $0x1B8B  }
0x1a: {  	_ =	swait.ge [sflag:s24], $0x1  }
0x1b: {  	[sflag:s24] =	ssyncset.done $0x0  }
0x1c: {  	s26 =	simm.s32 $0x1B8E;
	s25 =	sld [smem:$0x3FFE];
	[sflag:s24] =	ssyncadd.s32 $0xFFFFFFFF  }
0x1d: {  	s27 =	simm.s32 $execute0_lowered;
	[smem:$0x3FD2] =	sst s26  }
0x1e: {  	s5 =	sshll.u32 s27, $0x1;
	_ =	strace $0x80000049;
	[dreg:$0x1] =	wrdreg $0xFFFFFFFF  }
0x1f: {  	s28 =	simm.s32 $_size_execute0_lowered;
	s3 =	sadd.s32 s3, s5;
	[dreg:$0x0] =	wrdreg $0x0  }
0x20: {  	s5 =	sshll.u32 s28, $0x1;
	[dreg:$0x2] =	wrdreg s3  }
0x21: {  	[dreg:$0x3] =	wrdreg s5  }
0x22: {  	[dreg:$0x4] =	wrdreg $0xC0  }
0x23: {  	_ =	task [dreg:s7], $0x5FFFF  }
0x24: {  	[dreg:$0x1] =	wrdreg $0xFFFFFFFF  }
0x25: {  	[dreg:$0x0] =	wrdreg $0x60  }
0x26: {  	[dreg:$0x2] =	wrdreg s25  }
0x27: {  	[dreg:$0x3] =	wrdreg s2  }
0x28: {  	[dreg:$0x4] =	wrdreg $0x9  }
0x29: {  	_ =	task.clear_ibuf [dreg:s7], $0x5FFFF;
	_ =	strace $0x90000049  }
0x2a: {  	s29 =	simm.s32 $0x9;
	_ =	strace $0x8000004B  }
0x2b: {  	_ =	swait.ge [sflag:s29], $0x1  }
0x2c: {  	[sflag:s29] =	ssyncadd.s32 $0xFFFFFFFF  }
0x2d: {  	_ =	strace $0x9000004B  }
0x2e: {  	_ =	sfence  }
0x2f: {  	s30 =	sld [smem:$0x0];
	_ =	sdelay $0x2  }
0x30: {  	s31 =	sshll.u32 s1, $0xD;
	s1 =	sshrl.u32 s1, $0x2  }
0x31: {  	s3 =	sand.u32 $0x4000, s31;
	s1 =	sadd.s32 s1, s30  }
0x32: {  	s0 =	sor.u32 s3, s0;
	s1 =	sshll.u32 s1, $0x11  }
0x33: {  	s0 =	sor.u32 s1, s0  }
0x34: {  	s0 =	sadd.s32 $0x8F2B, s0  }
0x35: {  	[sflag:s0] =	ssyncadd.remote.s32 $0x1  }
0x36: {  	_ =	sfence.sel $0xFFFF  }
0x37: {  	[dreg:$0x0] =	wrdreg $0xFFFFFFFF;
	(pc) =	sbr.abs _section_cstart, $3  }
0x38: {  	[dreg:$0x1] =	wrdreg $0xFFFFFFFF  }
0x39: {  	_ =	task.clear_ibuf [dreg:s7], $0x2FFFF;
	_ =	strace $0x9FFFFFFF  }
0x3a: {  	(tm) =	ssettm $0x7FFFFFFF  }
0x3b: {  	_ =	shalt  }
tec
execute0_lowered:
.L_overlay_start_1:
0x0: {  	(tag) =	ssettag $0x1  }
0x1: {  	s0 =	stileid.u32;
	s6 =	rddreg [dreg:$0x0]  }
0x2: {  	s2 =	rddreg [dreg:$0x1];
	s5 =	srdreg.scid  }
0x3: {  	s31 =	simm.s32 $0x2;
	s13 =	simm.s32 $0x0;
	s1 =	sshll.u32 s0, $0x7  }
0x4: {  	s14 =	simm.s32 $0x0;
	s12 =	simm.s32 $0x0;
	s3 =	sand.u32 $0x380, s1  }
0x5: {  	s5 =	sshll.u32 s5, $0x4;
	s6 =	sadd.s32 $0x7E00, s6;
	s4 =	ssub.s32 $0x400, s3  }
0x6: {  	s1 =	rddreg [dreg:$0x2];
	_ =	strace $0x8000004A;
	s7 =	sand.u32 $0x380, s4  }
0x7: {  	s5 =	sand.u32 $0x10, s5;
	p0 =	sne.s32 s7, $0x0;
	s7 =	simm.s32 $0x1  }
.Ltmp0:
0x8: {  	s8 =	sshrl.u32 s4, $0xA;
	s7 =	simm.s32 @!p0 $0x0;
	(pc) =	sbr.rel .LBB1_1-.Ltmp0, $4  }
0x9: {  	s9 =	sor.u32 s0, s5;
	s4 =	simm.s32 $0x1;
	s30 =	sadd.s32 s7, s8  }
0xa: {  	s11 =	smov.u32 s3;
	[sflag:s4] =	ssyncpa.u1 $0x0;
	s5 =	smul.u32 $0x32, s30  }
0xb: {  	[sflag:s31] =	ssyncpa.u1 $0x0;
	p0 =	por $0x0, $0x0;
	s7 =	sshrl.u32 s9, $0x3  }
0xc: {  	s9 =	simm.s32 $0x2000;
	s10 =	smov.u32 s7;
	s8 =	sor.u32 $0x1, s5  }
.LBB1_4:
0xd: {  	s17 =	sand.u32 $0x1F80, s14;
	s13 =	sshll.u32 s13, $0xD  }
0xe: {  	[tilespmem:s16+$0x810 ss:$0x81] =	vst.msk $0xffff, v2;
	s18 =	sshrl.u32 s14, $0x3;
	s31 =	sand.u32 $0x7, s14;
	s17 =	sadd.s32 s2, s17  }
0xf: {  	[tilespmem:s16+$0x1020 ss:$0x81] =	vst.msk $0xffff, v0;
	s18 =	sand.u32 $0xF, s18;
	s14 =	sshll.u32 s31, $0x12;
	s13 =	sadd.s32 s13, s17  }
0x10: {  	[tilespmem:s16+$0x0 ss:$0x81] =	vst.msk $0xffff, v1;
	s14 =	sor.u32 $0x400, s14;
	s13 =	sadd.s32 s18, s13  }
0x11: {  	[hbm4b:s13+s14] =	stream.strided.scatter [tilespmem:s15], [sflag:$0x2], $0x2000, s9, s14, $0x20;
	[tilespmem:$0x8080] =	vst v63  }
.LBB1_5:
0x12: {  	s15 =	sadd.s32 $0x4, s10  }
0x13: {  	s13 =	sadd.s32 $0x400, s11;
	s17 =	smov.u32 s11;
	p2 =	sgt.s32 s15, $0xC7  }
0x14: {  	s17 =	smov.u32 @p2 s13  }
0x15: {  	s15 =	smov.u32 @p2 s7;
	p2 =	sgt.s32 s17, $0x3FF  }
0x16: {  	s17 =	smov.u32 @p2 s3;
	p2 =	sne.s32 s12, s8  }
.Ltmp1:
0x17: {  	p1 =	slt.u32 s12, $0x2;
	(pc) =	sbr.rel @!p2 .LBB1_6-.Ltmp1, $4  }
0x18: {  	s16 =	simm.s32 @!p1 $0x2  }
0x19: {  	s14 =	smov.u32 s11;
	p0 =	por !p0, !p0;
	_ =	swait.ge @!p1 [sflag:s16], $0x2000  }
0x1a: {  	s13 =	smov.u32 s10;
	[sflag:s16] =	ssyncset.done @!p1 $0x0;
	s10 =	smov.u32 s15  }
0x1b: {  	s12 =	sadd.s32 $0x1, s12;
	[sflag:s16] =	ssyncadd.s32 @!p1 $0xFFFFE000;
	s11 =	smov.u32 s17  }
.LBB1_1:
0x1c: {  	p1 =	sge.u32 s12, s5  }
0x1d: {  	s15 =	sand.u32 @!p1 $0x1FFFFFF, s10  }
0x1e: {  	s16 =	smulhi.u32 @!p1 $0x147AE15, s15;
	_ =	sdelay $0x1  }
0x1f: {  	s16 =	smul.u32 @!p1 $0xC8, s16  }
0x20: {  	s17 =	sxor.u32 @!p1 $0xFFFFFFFF, s12;
	s18 =	smul.u32 @!p1 $0xC80, s11  }
0x21: {  	s31 =	sadd.s32 $0xFFFFFFFF, s12;
	s17 =	sshll.u32 @!p1 s17, $0xD;
	s15 =	ssub.s32 @!p1 s15, s16  }
0x22: {  	s16 =	sand.u32 @!p1 $0x2000, s17;
	s17 =	sadd.s32 @!p1 s6, s18;
	s15 =	sshll.u32 @!p1 s15, $0x4  }
0x23: {  	s18 =	simm.s32 @!p1 $0x6400;
	s15 =	sadd.s32 @!p1 s15, s17;
	s17 =	simm.s32 @!p1 $0x40  }
0x24: {  	[tilespmem:s16], [sflag:$0x1] =	stream.strided.gather @!p1 [hbm4b:s15+s17], $0x2000, s18, s17, $0x38;
	[tilespmem:$0x8080] =	vst v63  }
0x25: {  	p1 =	sge.u32 s31, s5  }
.Ltmp2:
0x26: {  	_ = 	snop;
	(pc) =	sbr.rel @p1 .LBB1_5-.Ltmp2, $1  }
0x27: {  	_ =	sdelay $0x3  }
0x28: {  	s15 =	simm.s32 $0x1  }
0x29: {  	_ =	swait.ge [sflag:s4], $0x2000;
	s15 =	simm.s32 @!p0 $0x0  }
0x2a: {  	[sflag:s4] =	ssyncset.done $0x0;
	s16 =	sshll.u32 s15, $0xD  }
0x2b: {  	[sflag:s4] =	ssyncadd.s32 $0xFFFFE000;
	s19 =	sor.u32 $0x20, s16  }
0x2c: {  	s15 =	smul.u32 $0x8100, s15;
	v3 =	vld [tilespmem:s19+$0x10]  }
0x2d: {  	s30 =	sand.u32 $0x1, s12;
	v2 =	vld [tilespmem:s19+$0xFFFFFFF0]  }
0x2e: {  	s16 =	smul.u32 $0x8100, s30;
	s15 =	sshrl.u32 s15, $0x2;
	v0 =	vld [tilespmem:s19+$0x0]  }
0x2f: {  	v1 =	vld [tilespmem:s19+$0xFFFFFFE0];
	s17 =	sor.u32 $0x4000, s15  }
0x30: {  	s31 =	sshrl.u32 s16, $0x2;
	s16 =	sadd.s32 $0x0, s17  }
0x31: {  	s18 =	simm.s32 $0x4;
	s19 =	sadd.s32 $0x40, s19;
	s15 =	sor.u32 $0x4000, s31;
	[tilespmem:s16+$0x1830 ss:$0x81] =	vst.msk $0xffff, v3  }
.LBB1_3:
0x32: {  	v3 =	vld [tilespmem:s19+$0x10];
	p1 =	sne.s32 s18, $0x1FC;
	[tilespmem:s16+$0x810 ss:$0x81] =	vst.msk $0xffff, v2;
	s20 =	smov.u32 s18;
	s18 =	sadd.s32 $0x4, s18  }
.Ltmp3:
0x33: {  	v2 =	vld [tilespmem:s19+$0xFFFFFFF0];
	[tilespmem:s16+$0x1020 ss:$0x81] =	vst.msk $0xffff, v0;
	(pc) =	sbr.rel @p1 .LBB1_3-.Ltmp3, $4  }
0x34: {  	v0 =	vld [tilespmem:s19+$0x0];
	[tilespmem:s16+$0x0 ss:$0x81] =	vst.msk $0xffff, v1  }
0x35: {  	s16 =	sshra.s32 s20, $0x2;
	v1 =	vld [tilespmem:s19+$0xFFFFFFE0]  }
0x36: {  	s16 =	sadd.s32 s16, s17  }
0x37: {  	s19 =	sadd.s32 $0x40, s19;
	[tilespmem:s16+$0x1830 ss:$0x81] =	vst.msk $0xffff, v3  }
.Ltmp4:
0x38: {  	_ = 	snop;
	(pc) =	sbr.rel .LBB1_4-.Ltmp4, $1  }
0x39: {  	_ =	sdelay $0x3  }
.LBB1_6:
0x3a: {  	_ =	sfence.sel $0x180000  }
0x3b: {  	s2 =	simm.s32 $0x1;
	[bflag:$0x0] =	sbarrier.arrive $0xFFFF  }
0x3c: {  	s31 =	simm.s32 $0x2;
	[sflag:s2] =	ssyncpa.u1 $0x1  }
0x3d: {  	[sflag:s31] =	ssyncpa.u1 $0x1  }
0x3e: {  	p0 =	sne.s32 s0, $0x0;
	_ =	strace $0x9000004A  }
0x3f: {  	s0 =	sadd.s32 @!p0 $0x100000, s1;
	[bflag:$0x2] =	sbarrier.arrive $0xFFFF  }
0x40: {  	[sflag:s0] =	ssyncadd.tile.s32 @!p0 $0x1;
	_ =	shalt  }
.Lfunc_end1:
_tile_overlayer_lowered:
.L_overlay_start_2:
0x41: {  	(tag) =	ssettag $0x2  }
0x42: {  	s0 =	rddreg [dreg:$0x0];
	s2 =	stileid.u32  }
0x43: {  	s1 =	rddreg [dreg:$0x1];
	p0 =	sne.s32 s2, $0x0  }
0x44: {  	s3 =	rddreg [dreg:$0x2];
	[bflag:$0x3] =	sbarrier.arrive $0xFFFF;
	s2 =	simm.s32 @!p0 $0x1C01  }
0x45: {  	[timem:s3], [sflag:s2] =	dma.local @!p0 [hbm:s0], s1  }
0x46: {  	s0 =	simm.s32 @!p0 $0x1  }
0x47: {  	_ =	swait.ge @!p0 [sflag:s0], s1  }
0x48: {  	s1 =	ssub.s32 @!p0 $0x0, s1;
	[sflag:s0] =	ssyncset.done @!p0 $0x0  }
0x49: {  	[sflag:s0] =	ssyncadd.s32 @!p0 s1  }
0x4a: {  	[bflag:$0x3] =	sbarrier.arrive $0xFFFF  }
0x4b: {  	_ =	shalt  }

</sc_bundles>
